<compile_context>
chip_gen: v7x
topology: tpu7x:2x2x1
jax: 0.10.2.dev20260603
libtpu: 0.0.44.dev20260713+nightly
codegen_flags: <defaults>
</compile_context>

<pallas_src>
import functools
import math

import numpy as np
import jax
import jax.numpy as jnp
from jax import lax
from jax.experimental import pallas as pl
from jax.experimental.pallas import tpu as pltpu
from jax.experimental.pallas import tpu_sc as plsc

S, D, H, F = 2048, 768, 12, 3072
DH = D // H
EPS = 1e-6


@functools.lru_cache(maxsize=1)
def _pe():
    pos = np.arange(S)[:, None].astype(np.float64)
    i = np.arange(D)[None, :]
    ang = pos / np.power(10000.0, (2 * (i // 2)) / D)
    pe = np.where(i % 2 == 0, np.sin(ang), np.cos(ang))
    return jnp.asarray(pe, jnp.float32)



def _sc_gather(embed, idx):
    info = plsc.get_sparse_core_info()
    nc, ns = info.num_cores, info.num_subcores
    nw = nc * ns
    bpw = S // nw
    mesh = plsc.VectorSubcoreMesh(core_axis_name="c", subcore_axis_name="s")

    @functools.partial(
        pl.kernel,
        mesh=mesh,
        out_type=jax.ShapeDtypeStruct((S, D), jnp.float32),
        scratch_types=[
            pltpu.VMEM((bpw,), jnp.int32),
            pltpu.VMEM((bpw, D), jnp.float32),
            pltpu.SemaphoreType.DMA,
        ],
    )
    def k(table_hbm, idx_hbm, out_hbm, idx_v, rows_v, sem):
        wid = lax.axis_index("s") * nc + lax.axis_index("c")
        base = wid * bpw
        pltpu.sync_copy(idx_hbm.at[pl.ds(base, bpw)], idx_v)
        pltpu.async_copy(table_hbm.at[idx_v], rows_v, sem).wait()
        pltpu.sync_copy(rows_v, out_hbm.at[pl.ds(base, bpw)])

    return k(embed, idx)



def _ln(xb, g, b):
    m = jnp.mean(xb, axis=-1, keepdims=True)
    v = jnp.mean((xb - m) * (xb - m), axis=-1, keepdims=True)
    return (xb - m) / jnp.sqrt(v + EPS) * g + b


def _full(shape):
    return pl.BlockSpec(shape, lambda *_: tuple(0 for _ in shape))


def _add_pe(e, pe):
    BS = 512

    def body(e_ref, p_ref, o_ref):
        o_ref[...] = e_ref[...] + p_ref[...]

    return pl.pallas_call(
        body,
        grid=(S // BS,),
        in_specs=[
            pl.BlockSpec((BS, D), lambda i: (i, 0)),
            pl.BlockSpec((BS, D), lambda i: (i, 0)),
        ],
        out_specs=pl.BlockSpec((BS, D), lambda i: (i, 0)),
        out_shape=jax.ShapeDtypeStruct((S, D), jnp.float32),
    )(e, pe)


def _qkv(h, kv, g, b, Wq, bq, Wk, bk, Wv, bv, ln_kv):
    BS = 512

    def body(h_ref, kv_ref, g_ref, b_ref, wq_ref, bq_ref, wk_ref, bk_ref,
             wv_ref, bv_ref, q_ref, k_ref, v_ref):
        hn = _ln(h_ref[...], g_ref[...], b_ref[...])
        kvin = hn if ln_kv else kv_ref[...]
        q_ref[...] = jnp.dot(hn, wq_ref[...],
                             preferred_element_type=jnp.float32) + bq_ref[...]
        k_ref[...] = jnp.dot(kvin, wk_ref[...],
                             preferred_element_type=jnp.float32) + bk_ref[...]
        v_ref[...] = jnp.dot(kvin, wv_ref[...],
                             preferred_element_type=jnp.float32) + bv_ref[...]

    row = pl.BlockSpec((BS, D), lambda i: (i, 0))
    outs = [jax.ShapeDtypeStruct((S, D), jnp.float32)] * 3
    return pl.pallas_call(
        body,
        grid=(S // BS,),
        in_specs=[row, row, _full((1, D)), _full((1, D)),
                  _full((D, D)), _full((1, D)), _full((D, D)), _full((1, D)),
                  _full((D, D)), _full((1, D))],
        out_specs=[row, row, row],
        out_shape=outs,
    )(h, kv, g, b, Wq, bq, Wk, bk, Wv, bv)


def _attention(q, k, v, causal):
    BQ = 256
    HP = 2
    BW = HP * DH
    scale = 1.0 / math.sqrt(DH)

    def body(q_ref, k_ref, v_ref, o_ref):
        qf = q_ref[...]
        kf = k_ref[...]
        vf = v_ref[...]
        if causal:
            i = pl.program_id(1)
            rows = i * BQ + lax.broadcasted_iota(jnp.int32, (BQ, S), 0)
            cols = lax.broadcasted_iota(jnp.int32, (BQ, S), 1)
            keep = cols <= rows
        outs = []
        for hh in range(HP):
            qb = qf[:, hh * DH:(hh + 1) * DH]
            kb = kf[:, hh * DH:(hh + 1) * DH]
            vb = vf[:, hh * DH:(hh + 1) * DH]
            att = lax.dot_general(qb, kb, (((1,), (1,)), ((), ())),
                                  preferred_element_type=jnp.float32) * scale
            if causal:
                att = jnp.where(keep, att, jnp.float32(-1e9))
            att = att - jnp.max(att, axis=-1, keepdims=True)
            att = jnp.exp(att)
            att = att / jnp.sum(att, axis=-1, keepdims=True)
            outs.append(jnp.dot(att, vb, preferred_element_type=jnp.float32))
        o_ref[...] = jnp.concatenate(outs, axis=1)

    return pl.pallas_call(
        body,
        grid=(H // HP, S // BQ),
        in_specs=[
            pl.BlockSpec((BQ, BW), lambda h, i: (i, h)),
            pl.BlockSpec((S, BW), lambda h, i: (0, h)),
            pl.BlockSpec((S, BW), lambda h, i: (0, h)),
        ],
        out_specs=pl.BlockSpec((BQ, BW), lambda h, i: (i, h)),
        out_shape=jax.ShapeDtypeStruct((S, D), jnp.float32),
    )(q, k, v)


def _proj_res(a, W, b, res):
    BS = 512

    def body(a_ref, w_ref, b_ref, r_ref, o_ref):
        o_ref[...] = (jnp.dot(a_ref[...], w_ref[...],
                              preferred_element_type=jnp.float32)
                      + b_ref[...] + r_ref[...])

    row = pl.BlockSpec((BS, D), lambda i: (i, 0))
    return pl.pallas_call(
        body,
        grid=(S // BS,),
        in_specs=[row, _full((D, D)), _full((1, D)), row],
        out_specs=row,
        out_shape=jax.ShapeDtypeStruct((S, D), jnp.float32),
    )(a, W, b, res)


def _ffn1(h, g, b, W1, b1):
    BS, BN = 512, 1536

    def body(h_ref, g_ref, b_ref, w_ref, b1_ref, o_ref):
        hn = _ln(h_ref[...], g_ref[...], b_ref[...])
        o_ref[...] = jax.nn.gelu(
            jnp.dot(hn, w_ref[...], preferred_element_type=jnp.float32)
            + b1_ref[...])

    return pl.pallas_call(
        body,
        grid=(F // BN, S // BS),
        in_specs=[
            pl.BlockSpec((BS, D), lambda j, i: (i, 0)),
            _full((1, D)), _full((1, D)),
            pl.BlockSpec((D, BN), lambda j, i: (0, j)),
            pl.BlockSpec((1, BN), lambda j, i: (0, j)),
        ],
        out_specs=pl.BlockSpec((BS, BN), lambda j, i: (i, j)),
        out_shape=jax.ShapeDtypeStruct((S, F), jnp.float32),
    )(h, g, b, W1, b1)


def _ffn2(t, W2, b2, res):
    BS = 256

    def body(t_ref, w_ref, b_ref, r_ref, o_ref):
        o_ref[...] = (jnp.dot(t_ref[...], w_ref[...],
                              preferred_element_type=jnp.float32)
                      + b_ref[...] + r_ref[...])

    return pl.pallas_call(
        body,
        grid=(S // BS,),
        in_specs=[
            pl.BlockSpec((BS, F), lambda i: (i, 0)),
            _full((F, D)), _full((1, D)),
            pl.BlockSpec((BS, D), lambda i: (i, 0)),
        ],
        out_specs=pl.BlockSpec((BS, D), lambda i: (i, 0)),
        out_shape=jax.ShapeDtypeStruct((S, D), jnp.float32),
    )(t, W2, b2, res)


def _final_ln(h, g, b):
    BS = 512

    def body(h_ref, g_ref, b_ref, o_ref):
        o_ref[...] = _ln(h_ref[...], g_ref[...], b_ref[...])

    row = pl.BlockSpec((BS, D), lambda i: (i, 0))
    return pl.pallas_call(
        body,
        grid=(S // BS,),
        in_specs=[row, _full((1, D)), _full((1, D))],
        out_specs=row,
        out_shape=jax.ShapeDtypeStruct((S, D), jnp.float32),
    )(h, g, b)



def kernel(x, c, embed, params):
    p = params
    L = p['Wq_sa'].shape[0]
    xf = x.reshape(-1).astype(jnp.int32)
    e = _sc_gather(embed, xf)
    h = _add_pe(e, _pe())
    cm = c.reshape(S, D)

    def r2(a):
        return a.reshape(1, -1)

    for l in range(L):
        q, k, v = _qkv(h, h, r2(p['g1'][l]), r2(p['b1'][l]),
                       p['Wq_sa'][l], r2(p['bq_sa'][l]),
                       p['Wk_sa'][l], r2(p['bk_sa'][l]),
                       p['Wv_sa'][l], r2(p['bv_sa'][l]), ln_kv=True)
        a = _attention(q, k, v, causal=True)
        h = _proj_res(a, p['Wo_sa'][l], r2(p['bo_sa'][l]), h)
        q, k, v = _qkv(h, cm, r2(p['g2'][l]), r2(p['b2'][l]),
                       p['Wq_ca'][l], r2(p['bq_ca'][l]),
                       p['Wk_ca'][l], r2(p['bk_ca'][l]),
                       p['Wv_ca'][l], r2(p['bv_ca'][l]), ln_kv=False)
        a = _attention(q, k, v, causal=False)
        h = _proj_res(a, p['Wo_ca'][l], r2(p['bo_ca'][l]), h)
        t = _ffn1(h, r2(p['g3'][l]), r2(p['b3'][l]), p['W1'][l], r2(p['b1f'][l]))
        h = _ffn2(t, p['W2'][l], r2(p['b2f'][l]), h)

    out = _final_ln(h, r2(p['gf']), r2(p['bf']))
    return out.reshape(1, S, D)

# --- scband reference (transcript-rebuilt; emitter-appended) ---
"""Pipeline reference for scband-decoding-transformer-49941879718469 (READ-ONLY COPY).

The authoritative reference and input builder live on the scoring server;
editing this copy changes nothing except your own understanding.
"""

import jax, jax.numpy as jnp
import numpy as np

B, S, D, H, L, V, F = 1, 2048, 768, 12, 2, 32000, 3072
EPS = 1e-6


def sinusoid(s, d):
    pos = np.arange(s)[:, None].astype(np.float64)
    i = np.arange(d)[None, :]
    ang = pos / np.power(10000.0, (2 * (i // 2)) / d)
    pe = np.where(i % 2 == 0, np.sin(ang), np.cos(ang))
    return jnp.asarray(pe, jnp.float32)


def layernorm(x, g, b):
    m = jnp.mean(x, axis=-1, keepdims=True)
    v = jnp.var(x, axis=-1, keepdims=True)
    return (x - m) / jnp.sqrt(v + EPS) * g + b


def mha(qin, kvin, Wq, bq, Wk, bk, Wv, bv, Wo, bo, causal):
    Bq, Sq, _ = qin.shape
    Sk = kvin.shape[1]
    dh = D // H
    q = (qin @ Wq + bq).reshape(Bq, Sq, H, dh).transpose(0, 2, 1, 3)
    k = (kvin @ Wk + bk).reshape(Bq, Sk, H, dh).transpose(0, 2, 1, 3)
    v = (kvin @ Wv + bv).reshape(Bq, Sk, H, dh).transpose(0, 2, 1, 3)
    att = jnp.einsum('bhqd,bhkd->bhqk', q, k) / jnp.sqrt(jnp.float32(dh))
    if causal:
        mask = jnp.tril(jnp.ones((Sq, Sk), dtype=bool))
        att = jnp.where(mask, att, jnp.float32(-1e9))
    att = jax.nn.softmax(att, axis=-1)
    out = jnp.einsum('bhqk,bhkd->bhqd', att, v).transpose(0, 2, 1, 3).reshape(Bq, Sq, D)
    return out @ Wo + bo


def forward(x, c, embed, params):
    h = embed[x] + sinusoid(S, D)[None, :, :]
    for l in range(L):
        hn = layernorm(h, params['g1'][l], params['b1'][l])
        h = h + mha(hn, hn, params['Wq_sa'][l], params['bq_sa'][l], params['Wk_sa'][l], params['bk_sa'][l], params['Wv_sa'][l], params['bv_sa'][l], params['Wo_sa'][l], params['bo_sa'][l], True)
        hn = layernorm(h, params['g2'][l], params['b2'][l])
        h = h + mha(hn, c, params['Wq_ca'][l], params['bq_ca'][l], params['Wk_ca'][l], params['bk_ca'][l], params['Wv_ca'][l], params['bv_ca'][l], params['Wo_ca'][l], params['bo_ca'][l], False)
        hn = layernorm(h, params['g3'][l], params['b3'][l])
        h = h + (jax.nn.gelu(hn @ params['W1'][l] + params['b1f'][l]) @ params['W2'][l] + params['b2f'][l])
    return layernorm(h, params['gf'], params['bf'])


def setup_inputs(seed: int = 0):
    key = jax.random.key(seed)
    ks = jax.random.split(key, 16)
    x = jax.random.randint(ks[0], (B, S), 0, V)
    c = jax.random.normal(ks[1], (B, S, D), dtype=jnp.float32)
    embed = 0.02 * jax.random.normal(ks[2], (V, D), dtype=jnp.float32)

    def w(k, shape):
        return 0.02 * jax.random.normal(k, shape, dtype=jnp.float32)

    params = {
        'Wq_sa': w(ks[3], (L, D, D)), 'Wk_sa': w(ks[4], (L, D, D)), 'Wv_sa': w(ks[5], (L, D, D)), 'Wo_sa': w(ks[6], (L, D, D)),
        'bq_sa': jnp.zeros((L, D)), 'bk_sa': jnp.zeros((L, D)), 'bv_sa': jnp.zeros((L, D)), 'bo_sa': jnp.zeros((L, D)),
        'Wq_ca': w(ks[7], (L, D, D)), 'Wk_ca': w(ks[8], (L, D, D)), 'Wv_ca': w(ks[9], (L, D, D)), 'Wo_ca': w(ks[10], (L, D, D)),
        'bq_ca': jnp.zeros((L, D)), 'bk_ca': jnp.zeros((L, D)), 'bv_ca': jnp.zeros((L, D)), 'bo_ca': jnp.zeros((L, D)),
        'W1': w(ks[11], (L, D, F)), 'b1f': jnp.zeros((L, F)), 'W2': w(ks[12], (L, F, D)), 'b2f': jnp.zeros((L, D)),
        'g1': jnp.ones((L, D)), 'b1': jnp.zeros((L, D)),
        'g2': jnp.ones((L, D)), 'b2': jnp.zeros((L, D)),
        'g3': jnp.ones((L, D)), 'b3': jnp.zeros((L, D)),
        'gf': jnp.ones((D,)), 'bf': jnp.zeros((D,)),
    }
    return {'x': x, 'c': c, 'embed': embed, 'params': params}


def reference(x, c, embed, params):
    return forward(x, c, embed, params)

if __name__ == "__main__":
    import jax
    _d = setup_inputs()
    print(jax.jit(kernel)(*tuple(_d.values())))

</pallas_src>

<mosaic_0001>
#map = affine_map<(d0, d1) -> (0, 0)>
#map1 = affine_map<(d0, d1) -> (0)>
module attributes {stable_mosaic.version = 14 : i64} {
  func.func @k(%arg0: i32, %arg1: i32, %arg2: memref<32000x768xf32, #tpu.memory_space<hbm>>, %arg3: memref<2048xi32, #tpu.memory_space<hbm>>, %arg4: memref<2048x768xf32, #tpu.memory_space<hbm>>, %arg5: memref<64xi32, #tpu.memory_space<vmem>>, %arg6: memref<64x768xf32, #tpu.memory_space<vmem>>, %arg7: memref<!tpu.dma_semaphore, #tpu.memory_space<semaphore_mem>>) attributes {dimension_semantics = [#tpu.dimension_semantics<core_parallel>, #tpu.dimension_semantics<subcore_parallel>], iteration_bounds = array<i64: 2, 16>, scalar_prefetch = 0 : i64, scratch_operands = 3 : i64, tpu.core_type = #tpu.core_type<sc_vector_subcore>, window_params = [{transform_indices = #map}, {transform_indices = #map1}, {transform_indices = #map}]} {
    %mul3A = arith.constant 2 : i32
    %mul3A_0 = arith.muli %arg1, %mul3A : i32
    %add3A = arith.addi %mul3A_0, %arg0 : i32
    %mul3A_1 = arith.constant 64 : i32
    %mul3A_2 = arith.muli %add3A, %mul3A_1 : i32
    "tpu.region"() ({
      %run_scoped3A = tpu.sem_alloc : memref<!tpu.dma_semaphore, #tpu.memory_space<semaphore_mem>>
      %dma_start3A_7 = tpu.memref_slice %arg3[%mul3A_2] : memref<2048xi32, #tpu.memory_space<hbm>> -> memref<64xi32, #tpu.memory_space<hbm>>
      %dma_start3A_8 = tpu.memref_slice %arg3[%mul3A_2] : memref<2048xi32, #tpu.memory_space<hbm>> -> memref<64xi32, #tpu.memory_space<hbm>>
      tpu.enqueue_dma source(%dma_start3A_8 : memref<64xi32, #tpu.memory_space<hbm>>) target(%arg5 : memref<64xi32, #tpu.memory_space<vmem>>) target_semaphore(%run_scoped3A : memref<!tpu.dma_semaphore, #tpu.memory_space<semaphore_mem>>)
      %dma_wait3A_9 = tpu.memref_slice %arg3[%mul3A_2] : memref<2048xi32, #tpu.memory_space<hbm>> -> memref<64xi32, #tpu.memory_space<hbm>>
      %dma_wait3A_10 = tpu.memref_slice %arg3[%mul3A_2] : memref<2048xi32, #tpu.memory_space<hbm>> -> memref<64xi32, #tpu.memory_space<hbm>>
      tpu.wait_dma2 semaphore(%run_scoped3A : memref<!tpu.dma_semaphore, #tpu.memory_space<semaphore_mem>>) src(%dma_wait3A_10 : memref<64xi32, #tpu.memory_space<hbm>>) dst(%arg5 : memref<64xi32, #tpu.memory_space<vmem>>)
      tpu.yield
    }) : () -> ()
    %dma_start3A = arith.constant 0 : i32
    %dma_start3A_3 = arith.constant 0 : i32
    %dma_start3A_4 = tpu.memref_slice %arg2[%dma_start3A, %dma_start3A_3] : memref<32000x768xf32, #tpu.memory_space<hbm>> -> memref<32000x768xf32, #tpu.memory_space<hbm>>
    tpu.enqueue_indirect_dma source(%dma_start3A_4 : memref<32000x768xf32, #tpu.memory_space<hbm>>) target(%arg6 : memref<64x768xf32, #tpu.memory_space<vmem>>) offsets(%arg5 : memref<64xi32, #tpu.memory_space<vmem>>) semaphore(%arg7 : memref<!tpu.dma_semaphore, #tpu.memory_space<semaphore_mem>>)
    %dma_wait3A = arith.constant 0 : i32
    %dma_wait3A_5 = arith.constant 0 : i32
    %dma_wait3A_6 = tpu.memref_slice %arg2[%dma_wait3A, %dma_wait3A_5] : memref<32000x768xf32, #tpu.memory_space<hbm>> -> memref<32000x768xf32, #tpu.memory_space<hbm>>
    tpu.wait_indirect_dma semaphore(%arg7 : memref<!tpu.dma_semaphore, #tpu.memory_space<semaphore_mem>>) src(%dma_wait3A_6 : memref<32000x768xf32, #tpu.memory_space<hbm>>) dst(%arg6 : memref<64x768xf32, #tpu.memory_space<vmem>>)
    "tpu.region"() ({
      %run_scoped3A = tpu.sem_alloc : memref<!tpu.dma_semaphore, #tpu.memory_space<semaphore_mem>>
      %dma_start3A_7 = arith.constant 0 : i32
      %dma_start3A_8 = tpu.memref_slice %arg4[%mul3A_2, %dma_start3A_7] : memref<2048x768xf32, #tpu.memory_space<hbm>> -> memref<64x768xf32, #tpu.memory_space<hbm>>
      %dma_start3A_9 = arith.constant 0 : i32
      %dma_start3A_10 = tpu.memref_slice %arg4[%mul3A_2, %dma_start3A_9] : memref<2048x768xf32, #tpu.memory_space<hbm>> -> memref<64x768xf32, #tpu.memory_space<hbm>>
      tpu.enqueue_dma source(%arg6 : memref<64x768xf32, #tpu.memory_space<vmem>>) target(%dma_start3A_10 : memref<64x768xf32, #tpu.memory_space<hbm>>) target_semaphore(%run_scoped3A : memref<!tpu.dma_semaphore, #tpu.memory_space<semaphore_mem>>)
      %dma_wait3A_11 = arith.constant 0 : i32
      %dma_wait3A_12 = tpu.memref_slice %arg4[%mul3A_2, %dma_wait3A_11] : memref<2048x768xf32, #tpu.memory_space<hbm>> -> memref<64x768xf32, #tpu.memory_space<hbm>>
      %dma_wait3A_13 = arith.constant 0 : i32
      %dma_wait3A_14 = tpu.memref_slice %arg4[%mul3A_2, %dma_wait3A_13] : memref<2048x768xf32, #tpu.memory_space<hbm>> -> memref<64x768xf32, #tpu.memory_space<hbm>>
      tpu.wait_dma2 semaphore(%run_scoped3A : memref<!tpu.dma_semaphore, #tpu.memory_space<semaphore_mem>>) src(%arg6 : memref<64x768xf32, #tpu.memory_space<vmem>>) dst(%dma_wait3A_14 : memref<64x768xf32, #tpu.memory_space<hbm>>)
      tpu.yield
    }) : () -> ()
    return
  }
}

module attributes {stable_mosaic.version = 14 : i64} {
  func.func @body(%arg0: i32, %arg1: memref<512x768xf32, #tpu.memory_space<vmem>>, %arg2: memref<512x768xf32, #tpu.memory_space<vmem>>, %arg3: memref<512x768xf32, #tpu.memory_space<vmem>>) attributes {dimension_semantics = [#tpu.dimension_semantics<arbitrary>], iteration_bounds = array<i64: 4>, scalar_prefetch = 0 : i64, scratch_operands = 0 : i64, tpu.core_type = #tpu.core_type<tc>, window_params = [{transform_indices = @transform_0, window_bounds = array<i64: 512, 768>}, {transform_indices = @transform_1, window_bounds = array<i64: 512, 768>}, {transform_indices = @transform_2, window_bounds = array<i64: 512, 768>}]} {
    %get3A = arith.constant 0 : index
    %get3A_0 = arith.constant 0 : index
    %get3A_1 = vector.load %arg1[%get3A, %get3A_0] : memref<512x768xf32, #tpu.memory_space<vmem>>, vector<512x768xf32>
    %get3A_2 = arith.constant 0 : index
    %get3A_3 = arith.constant 0 : index
    %get3A_4 = vector.load %arg2[%get3A_2, %get3A_3] : memref<512x768xf32, #tpu.memory_space<vmem>>, vector<512x768xf32>
    %add3A = arith.addf %get3A_1, %get3A_4 : vector<512x768xf32>
    %swap3A = arith.constant 0 : index
    %swap3A_5 = arith.constant 0 : index
    %swap3A_6 = vector.load %arg3[%swap3A, %swap3A_5] : memref<512x768xf32, #tpu.memory_space<vmem>>, vector<512x768xf32>
    tpu.vector_store %arg3[%swap3A, %swap3A_5], %add3A {strides = array<i32>} : memref<512x768xf32, #tpu.memory_space<vmem>>, vector<512x768xf32>,
    return
  }
  func.func @transform_0(%arg0: i32) -> (i32, i32) {
    %c0_i32 = arith.constant 0 : i32
    %c0_i32_0 = arith.constant 0 : i32
    return %arg0, %c0_i32 : i32, i32
  }
  func.func @transform_1(%arg0: i32) -> (i32, i32) {
    %c0_i32 = arith.constant 0 : i32
    %c0_i32_0 = arith.constant 0 : i32
    return %arg0, %c0_i32 : i32, i32
  }
  func.func @transform_2(%arg0: i32) -> (i32, i32) {
    %c0_i32 = arith.constant 0 : i32
    %c0_i32_0 = arith.constant 0 : i32
    return %arg0, %c0_i32 : i32, i32
  }
}

module attributes {stable_mosaic.version = 14 : i64} {
  func.func @body(%arg0: i32, %arg1: memref<512x768xf32, #tpu.memory_space<vmem>>, %arg2: memref<512x768xf32, #tpu.memory_space<vmem>>, %arg3: memref<1x768xf32, #tpu.memory_space<vmem>>, %arg4: memref<1x768xf32, #tpu.memory_space<vmem>>, %arg5: memref<768x768xf32, #tpu.memory_space<vmem>>, %arg6: memref<1x768xf32, #tpu.memory_space<vmem>>, %arg7: memref<768x768xf32, #tpu.memory_space<vmem>>, %arg8: memref<1x768xf32, #tpu.memory_space<vmem>>, %arg9: memref<768x768xf32, #tpu.memory_space<vmem>>, %arg10: memref<1x768xf32, #tpu.memory_space<vmem>>, %arg11: memref<512x768xf32, #tpu.memory_space<vmem>>, %arg12: memref<512x768xf32, #tpu.memory_space<vmem>>, %arg13: memref<512x768xf32, #tpu.memory_space<vmem>>) attributes {dimension_semantics = [#tpu.dimension_semantics<arbitrary>], iteration_bounds = array<i64: 4>, scalar_prefetch = 0 : i64, scratch_operands = 0 : i64, tpu.core_type = #tpu.core_type<tc>, window_params = [{transform_indices = @transform_0, window_bounds = array<i64: 512, 768>}, {transform_indices = @transform_1, window_bounds = array<i64: 512, 768>}, {pipeline_mode = #tpu.pipeline_mode<synchronous>, transform_indices = @transform_2, window_bounds = array<i64: 1, 768>}, {pipeline_mode = #tpu.pipeline_mode<synchronous>, transform_indices = @transform_3, window_bounds = array<i64: 1, 768>}, {pipeline_mode = #tpu.pipeline_mode<synchronous>, transform_indices = @transform_4, window_bounds = array<i64: 768, 768>}, {pipeline_mode = #tpu.pipeline_mode<synchronous>, transform_indices = @transform_5, window_bounds = array<i64: 1, 768>}, {pipeline_mode = #tpu.pipeline_mode<synchronous>, transform_indices = @transform_6, window_bounds = array<i64: 768, 768>}, {pipeline_mode = #tpu.pipeline_mode<synchronous>, transform_indices = @transform_7, window_bounds = array<i64: 1, 768>}, {pipeline_mode = #tpu.pipeline_mode<synchronous>, transform_indices = @transform_8, window_bounds = array<i64: 768, 768>}, {pipeline_mode = #tpu.pipeline_mode<synchronous>, transform_indices = @transform_9, window_bounds = array<i64: 1, 768>}, {transform_indices = @transform_10, window_bounds = array<i64: 512, 768>}, {transform_indices = @transform_11, window_bounds = array<i64: 512, 768>}, {transform_indices = @transform_12, window_bounds = array<i64: 512, 768>}]} {
    %get3A = arith.constant 0 : index
    %get3A_0 = arith.constant 0 : index
    %get3A_1 = vector.load %arg1[%get3A, %get3A_0] : memref<512x768xf32, #tpu.memory_space<vmem>>, vector<512x768xf32>
    %get3A_2 = arith.constant 0 : index
    %get3A_3 = arith.constant 0 : index
    %get3A_4 = vector.load %arg3[%get3A_2, %get3A_3] : memref<1x768xf32, #tpu.memory_space<vmem>>, vector<1x768xf32>
    %get3A_5 = arith.constant 0 : index
    %get3A_6 = arith.constant 0 : index
    %get3A_7 = vector.load %arg4[%get3A_5, %get3A_6] : memref<1x768xf32, #tpu.memory_space<vmem>>, vector<1x768xf32>
    %reduce_sum3A = arith.constant dense<0.000000e+00> : vector<512xf32>
    %reduce_sum3A_8 = vector.multi_reduction <add>, %get3A_1, %reduce_sum3A [1] : vector<512x768xf32> to vector<512xf32>
    %broadcast_in_dim3A = vector.shape_cast %reduce_sum3A_8 : vector<512xf32> to vector<512x1xf32>
    %div3A = arith.constant 7.680000e+02 : f32
    %div3A_9 = vector.broadcast %div3A : f32 to vector<512x1xf32>
    %div3A_10 = arith.divf %broadcast_in_dim3A, %div3A_9 : vector<512x1xf32>
    %sub3A = vector.broadcast %div3A_10 : vector<512x1xf32> to vector<512x768xf32>
    %sub3A_11 = arith.subf %get3A_1, %sub3A : vector<512x768xf32>
    %sub3A_12 = vector.broadcast %div3A_10 : vector<512x1xf32> to vector<512x768xf32>
    %sub3A_13 = arith.subf %get3A_1, %sub3A_12 : vector<512x768xf32>
    %mul3A = arith.mulf %sub3A_11, %sub3A_13 : vector<512x768xf32>
    %reduce_sum3A_14 = arith.constant dense<0.000000e+00> : vector<512xf32>
    %reduce_sum3A_15 = vector.multi_reduction <add>, %mul3A, %reduce_sum3A_14 [1] : vector<512x768xf32> to vector<512xf32>
    %broadcast_in_dim3A_16 = vector.shape_cast %reduce_sum3A_15 : vector<512xf32> to vector<512x1xf32>
    %div3A_17 = arith.constant 7.680000e+02 : f32
    %div3A_18 = vector.broadcast %div3A_17 : f32 to vector<512x1xf32>
    %div3A_19 = arith.divf %broadcast_in_dim3A_16, %div3A_18 : vector<512x1xf32>
    %sub3A_20 = vector.broadcast %div3A_10 : vector<512x1xf32> to vector<512x768xf32>
    %sub3A_21 = arith.subf %get3A_1, %sub3A_20 : vector<512x768xf32>
    %add3A = arith.constant 9.99999997E-7 : f32
    %add3A_22 = vector.broadcast %add3A : f32 to vector<512x1xf32>
    %add3A_23 = arith.addf %div3A_19, %add3A_22 : vector<512x1xf32>
    %sqrt3A = math.sqrt %add3A_23 : vector<512x1xf32>
    %div3A_24 = vector.broadcast %sqrt3A : vector<512x1xf32> to vector<512x768xf32>
    %div3A_25 = arith.divf %sub3A_21, %div3A_24 : vector<512x768xf32>
    %mul3A_26 = vector.broadcast %get3A_4 : vector<1x768xf32> to vector<512x768xf32>
    %mul3A_27 = arith.mulf %div3A_25, %mul3A_26 : vector<512x768xf32>
    %add3A_28 = vector.broadcast %get3A_7 : vector<1x768xf32> to vector<512x768xf32>
    %add3A_29 = arith.addf %mul3A_27, %add3A_28 : vector<512x768xf32>
    %get3A_30 = arith.constant 0 : index
    %get3A_31 = arith.constant 0 : index
    %get3A_32 = vector.load %arg5[%get3A_30, %get3A_31] : memref<768x768xf32, #tpu.memory_space<vmem>>, vector<768x768xf32>
    %dot_general3A = arith.constant dense<0.000000e+00> : vector<512x768xf32>
    %dot_general3A_33 = tpu.matmul %add3A_29, %get3A_32, %dot_general3A {dimension_numbers = #tpu.dot_dimension_numbers<[1], [0], [0], [1], [0, 0, 1, 1], [], []>, transpose_lhs_hint = false} : vector<512x768xf32>, vector<768x768xf32>, vector<512x768xf32> -> vector<512x768xf32>
    %get3A_34 = arith.constant 0 : index
    %get3A_35 = arith.constant 0 : index
    %get3A_36 = vector.load %arg6[%get3A_34, %get3A_35] : memref<1x768xf32, #tpu.memory_space<vmem>>, vector<1x768xf32>
    %add3A_37 = vector.broadcast %get3A_36 : vector<1x768xf32> to vector<512x768xf32>
    %add3A_38 = arith.addf %dot_general3A_33, %add3A_37 : vector<512x768xf32>
    %swap3A = arith.constant 0 : index
    %swap3A_39 = arith.constant 0 : index
    %swap3A_40 = vector.load %arg11[%swap3A, %swap3A_39] : memref<512x768xf32, #tpu.memory_space<vmem>>, vector<512x768xf32>
    tpu.vector_store %arg11[%swap3A, %swap3A_39], %add3A_38 {strides = array<i32>} : memref<512x768xf32, #tpu.memory_space<vmem>>, vector<512x768xf32>,
    %get3A_41 = arith.constant 0 : index
    %get3A_42 = arith.constant 0 : index
    %get3A_43 = vector.load %arg7[%get3A_41, %get3A_42] : memref<768x768xf32, #tpu.memory_space<vmem>>, vector<768x768xf32>
    %dot_general3A_44 = arith.constant dense<0.000000e+00> : vector<512x768xf32>
    %dot_general3A_45 = tpu.matmul %add3A_29, %get3A_43, %dot_general3A_44 {dimension_numbers = #tpu.dot_dimension_numbers<[1], [0], [0], [1], [0, 0, 1, 1], [], []>, transpose_lhs_hint = false} : vector<512x768xf32>, vector<768x768xf32>, vector<512x768xf32> -> vector<512x768xf32>
    %get3A_46 = arith.constant 0 : index
    %get3A_47 = arith.constant 0 : index
    %get3A_48 = vector.load %arg8[%get3A_46, %get3A_47] : memref<1x768xf32, #tpu.memory_space<vmem>>, vector<1x768xf32>
    %add3A_49 = vector.broadcast %get3A_48 : vector<1x768xf32> to vector<512x768xf32>
    %add3A_50 = arith.addf %dot_general3A_45, %add3A_49 : vector<512x768xf32>
    %swap3A_51 = arith.constant 0 : index
    %swap3A_52 = arith.constant 0 : index
    %swap3A_53 = vector.load %arg12[%swap3A_51, %swap3A_52] : memref<512x768xf32, #tpu.memory_space<vmem>>, vector<512x768xf32>
    tpu.vector_store %arg12[%swap3A_51, %swap3A_52], %add3A_50 {strides = array<i32>} : memref<512x768xf32, #tpu.memory_space<vmem>>, vector<512x768xf32>,
    %get3A_54 = arith.constant 0 : index
    %get3A_55 = arith.constant 0 : index
    %get3A_56 = vector.load %arg9[%get3A_54, %get3A_55] : memref<768x768xf32, #tpu.memory_space<vmem>>, vector<768x768xf32>
    %dot_general3A_57 = arith.constant dense<0.000000e+00> : vector<512x768xf32>
    %dot_general3A_58 = tpu.matmul %add3A_29, %get3A_56, %dot_general3A_57 {dimension_numbers = #tpu.dot_dimension_numbers<[1], [0], [0], [1], [0, 0, 1, 1], [], []>, transpose_lhs_hint = false} : vector<512x768xf32>, vector<768x768xf32>, vector<512x768xf32> -> vector<512x768xf32>
    %get3A_59 = arith.constant 0 : index
    %get3A_60 = arith.constant 0 : index
    %get3A_61 = vector.load %arg10[%get3A_59, %get3A_60] : memref<1x768xf32, #tpu.memory_space<vmem>>, vector<1x768xf32>
    %add3A_62 = vector.broadcast %get3A_61 : vector<1x768xf32> to vector<512x768xf32>
    %add3A_63 = arith.addf %dot_general3A_58, %add3A_62 : vector<512x768xf32>
    %swap3A_64 = arith.constant 0 : index
    %swap3A_65 = arith.constant 0 : index
    %swap3A_66 = vector.load %arg13[%swap3A_64, %swap3A_65] : memref<512x768xf32, #tpu.memory_space<vmem>>, vector<512x768xf32>
    tpu.vector_store %arg13[%swap3A_64, %swap3A_65], %add3A_63 {strides = array<i32>} : memref<512x768xf32, #tpu.memory_space<vmem>>, vector<512x768xf32>,
    return
  }
  func.func @transform_0(%arg0: i32) -> (i32, i32) {
    %c0_i32 = arith.constant 0 : i32
    %c0_i32_0 = arith.constant 0 : i32
    return %arg0, %c0_i32 : i32, i32
  }
  func.func @transform_1(%arg0: i32) -> (i32, i32) {
    %c0_i32 = arith.constant 0 : i32
    %c0_i32_0 = arith.constant 0 : i32
    return %arg0, %c0_i32 : i32, i32
  }
  func.func @transform_2(%arg0: i32) -> (i32, i32) {
    %c0_i32 = arith.constant 0 : i32
    %c0_i32_0 = arith.constant 0 : i32
    %c0_i32_1 = arith.constant 0 : i32
    return %c0_i32, %c0_i32_0 : i32, i32
  }
  func.func @transform_3(%arg0: i32) -> (i32, i32) {
    %c0_i32 = arith.constant 0 : i32
    %c0_i32_0 = arith.constant 0 : i32
    %c0_i32_1 = arith.constant 0 : i32
    return %c0_i32, %c0_i32_0 : i32, i32
  }
  func.func @transform_4(%arg0: i32) -> (i32, i32) {
    %c0_i32 = arith.constant 0 : i32
    %c0_i32_0 = arith.constant 0 : i32
    %c0_i32_1 = arith.constant 0 : i32
    return %c0_i32, %c0_i32_0 : i32, i32
  }
  func.func @transform_5(%arg0: i32) -> (i32, i32) {
    %c0_i32 = arith.constant 0 : i32
    %c0_i32_0 = arith.constant 0 : i32
    %c0_i32_1 = arith.constant 0 : i32
    return %c0_i32, %c0_i32_0 : i32, i32
  }
  func.func @transform_6(%arg0: i32) -> (i32, i32) {
    %c0_i32 = arith.constant 0 : i32
    %c0_i32_0 = arith.constant 0 : i32
    %c0_i32_1 = arith.constant 0 : i32
    return %c0_i32, %c0_i32_0 : i32, i32
  }
  func.func @transform_7(%arg0: i32) -> (i32, i32) {
    %c0_i32 = arith.constant 0 : i32
    %c0_i32_0 = arith.constant 0 : i32
    %c0_i32_1 = arith.constant 0 : i32
    return %c0_i32, %c0_i32_0 : i32, i32
  }
  func.func @transform_8(%arg0: i32) -> (i32, i32) {
    %c0_i32 = arith.constant 0 : i32
    %c0_i32_0 = arith.constant 0 : i32
    %c0_i32_1 = arith.constant 0 : i32
    return %c0_i32, %c0_i32_0 : i32, i32
  }
  func.func @transform_9(%arg0: i32) -> (i32, i32) {
    %c0_i32 = arith.constant 0 : i32
    %c0_i32_0 = arith.constant 0 : i32
    %c0_i32_1 = arith.constant 0 : i32
    return %c0_i32, %c0_i32_0 : i32, i32
  }
  func.func @transform_10(%arg0: i32) -> (i32, i32) {
    %c0_i32 = arith.constant 0 : i32
    %c0_i32_0 = arith.constant 0 : i32
    return %arg0, %c0_i32 : i32, i32
  }
  func.func @transform_11(%arg0: i32) -> (i32, i32) {
    %c0_i32 = arith.constant 0 : i32
    %c0_i32_0 = arith.constant 0 : i32
    return %arg0, %c0_i32 : i32, i32
  }
  func.func @transform_12(%arg0: i32) -> (i32, i32) {
    %c0_i32 = arith.constant 0 : i32
    %c0_i32_0 = arith.constant 0 : i32
    return %arg0, %c0_i32 : i32, i32
  }
}

module attributes {stable_mosaic.version = 14 : i64} {
  func.func @body(%arg0: i32, %arg1: i32, %arg2: memref<256x128xf32, #tpu.memory_space<vmem>>, %arg3: memref<2048x128xf32, #tpu.memory_space<vmem>>, %arg4: memref<2048x128xf32, #tpu.memory_space<vmem>>, %arg5: memref<256x128xf32, #tpu.memory_space<vmem>>) attributes {dimension_semantics = [#tpu.dimension_semantics<arbitrary>, #tpu.dimension_semantics<arbitrary>], iteration_bounds = array<i64: 6, 8>, scalar_prefetch = 0 : i64, scratch_operands = 0 : i64, tpu.core_type = #tpu.core_type<tc>, window_params = [{transform_indices = @transform_0, window_bounds = array<i64: 256, 128>}, {transform_indices = @transform_1, window_bounds = array<i64: 2048, 128>}, {transform_indices = @transform_2, window_bounds = array<i64: 2048, 128>}, {transform_indices = @transform_3, window_bounds = array<i64: 256, 128>}]} {
    %get3A = arith.constant 0 : index
    %get3A_0 = arith.constant 0 : index
    %get3A_1 = vector.load %arg2[%get3A, %get3A_0] : memref<256x128xf32, #tpu.memory_space<vmem>>, vector<256x128xf32>
    %get3A_2 = arith.constant 0 : index
    %get3A_3 = arith.constant 0 : index
    %get3A_4 = vector.load %arg3[%get3A_2, %get3A_3] : memref<2048x128xf32, #tpu.memory_space<vmem>>, vector<2048x128xf32>
    %get3A_5 = arith.constant 0 : index
    %get3A_6 = arith.constant 0 : index
    %get3A_7 = vector.load %arg4[%get3A_5, %get3A_6] : memref<2048x128xf32, #tpu.memory_space<vmem>>, vector<2048x128xf32>
    %mul3A = arith.constant 256 : i32
    %mul3A_8 = arith.muli %arg1, %mul3A : i32
    %iota3A = tpu.iota {dimensions = array<i32: 0>} : vector<256x2048xi32>
    %add3A = vector.broadcast %mul3A_8 : i32 to vector<256x2048xi32>
    %add3A_9 = arith.addi %add3A, %iota3A : vector<256x2048xi32>
    %iota3A_10 = tpu.iota {dimensions = array<i32: 1>} : vector<256x2048xi32>
    %le3A = arith.cmpi sle, %iota3A_10, %add3A_9 : vector<256x2048xi32>
    %slice3A = vector.extract_strided_slice %get3A_1 {offsets = [0, 0], sizes = [256, 64], strides = [1, 1]} : vector<256x128xf32> to vector<256x64xf32>
    %slice3A_11 = vector.extract_strided_slice %get3A_4 {offsets = [0, 0], sizes = [2048, 64], strides = [1, 1]} : vector<2048x128xf32> to vector<2048x64xf32>
    %slice3A_12 = vector.extract_strided_slice %get3A_7 {offsets = [0, 0], sizes = [2048, 64], strides = [1, 1]} : vector<2048x128xf32> to vector<2048x64xf32>
    %dot_general3A = arith.constant dense<0.000000e+00> : vector<256x2048xf32>
    %dot_general3A_13 = tpu.matmul %slice3A, %slice3A_11, %dot_general3A {dimension_numbers = #tpu.dot_dimension_numbers<[1], [1], [0], [0], [0, 0, 1, 0], [], []>, transpose_lhs_hint = false} : vector<256x64xf32>, vector<2048x64xf32>, vector<256x2048xf32> -> vector<256x2048xf32>
    %mul3A_14 = arith.constant 1.250000e-01 : f32
    %mul3A_15 = vector.broadcast %mul3A_14 : f32 to vector<256x2048xf32>
    %mul3A_16 = arith.mulf %dot_general3A_13, %mul3A_15 : vector<256x2048xf32>
    %jit3A = arith.constant -1.000000e+09 : f32
    %broadcast_in_dim3A = vector.broadcast %jit3A : f32 to vector<256x2048xf32>
    %select_n3A = arith.select %le3A, %mul3A_16, %broadcast_in_dim3A : vector<256x2048xi1>, vector<256x2048xf32>
    %reduce_max3A = arith.constant dense<0xFF800000> : vector<256xf32>
    %reduce_max3A_17 = vector.multi_reduction <maximumf>, %select_n3A, %reduce_max3A [1] : vector<256x2048xf32> to vector<256xf32>
    %broadcast_in_dim3A_18 = vector.shape_cast %reduce_max3A_17 : vector<256xf32> to vector<256x1xf32>
    %sub3A = vector.broadcast %broadcast_in_dim3A_18 : vector<256x1xf32> to vector<256x2048xf32>
    %sub3A_19 = arith.subf %select_n3A, %sub3A : vector<256x2048xf32>
    %exp3A = math.exp %sub3A_19 : vector<256x2048xf32>
    %reduce_sum3A = arith.constant dense<0.000000e+00> : vector<256xf32>
    %reduce_sum3A_20 = vector.multi_reduction <add>, %exp3A, %reduce_sum3A [1] : vector<256x2048xf32> to vector<256xf32>
    %broadcast_in_dim3A_21 = vector.shape_cast %reduce_sum3A_20 : vector<256xf32> to vector<256x1xf32>
    %div3A = vector.broadcast %broadcast_in_dim3A_21 : vector<256x1xf32> to vector<256x2048xf32>
    %div3A_22 = arith.divf %exp3A, %div3A : vector<256x2048xf32>
    %dot_general3A_23 = arith.constant dense<0.000000e+00> : vector<256x64xf32>
    %dot_general3A_24 = tpu.matmul %div3A_22, %slice3A_12, %dot_general3A_23 {dimension_numbers = #tpu.dot_dimension_numbers<[1], [0], [0], [1], [0, 0, 1, 1], [], []>, transpose_lhs_hint = false} : vector<256x2048xf32>, vector<2048x64xf32>, vector<256x64xf32> -> vector<256x64xf32>
    %slice3A_25 = vector.extract_strided_slice %get3A_1 {offsets = [0, 64], sizes = [256, 64], strides = [1, 1]} : vector<256x128xf32> to vector<256x64xf32>
    %slice3A_26 = vector.extract_strided_slice %get3A_4 {offsets = [0, 64], sizes = [2048, 64], strides = [1, 1]} : vector<2048x128xf32> to vector<2048x64xf32>
    %slice3A_27 = vector.extract_strided_slice %get3A_7 {offsets = [0, 64], sizes = [2048, 64], strides = [1, 1]} : vector<2048x128xf32> to vector<2048x64xf32>
    %dot_general3A_28 = arith.constant dense<0.000000e+00> : vector<256x2048xf32>
    %dot_general3A_29 = tpu.matmul %slice3A_25, %slice3A_26, %dot_general3A_28 {dimension_numbers = #tpu.dot_dimension_numbers<[1], [1], [0], [0], [0, 0, 1, 0], [], []>, transpose_lhs_hint = false} : vector<256x64xf32>, vector<2048x64xf32>, vector<256x2048xf32> -> vector<256x2048xf32>
    %mul3A_30 = arith.constant 1.250000e-01 : f32
    %mul3A_31 = vector.broadcast %mul3A_30 : f32 to vector<256x2048xf32>
    %mul3A_32 = arith.mulf %dot_general3A_29, %mul3A_31 : vector<256x2048xf32>
    %jit3A_33 = arith.constant -1.000000e+09 : f32
    %broadcast_in_dim3A_34 = vector.broadcast %jit3A_33 : f32 to vector<256x2048xf32>
    %select_n3A_35 = arith.select %le3A, %mul3A_32, %broadcast_in_dim3A_34 : vector<256x2048xi1>, vector<256x2048xf32>
    %reduce_max3A_36 = arith.constant dense<0xFF800000> : vector<256xf32>
    %reduce_max3A_37 = vector.multi_reduction <maximumf>, %select_n3A_35, %reduce_max3A_36 [1] : vector<256x2048xf32> to vector<256xf32>
    %broadcast_in_dim3A_38 = vector.shape_cast %reduce_max3A_37 : vector<256xf32> to vector<256x1xf32>
    %sub3A_39 = vector.broadcast %broadcast_in_dim3A_38 : vector<256x1xf32> to vector<256x2048xf32>
    %sub3A_40 = arith.subf %select_n3A_35, %sub3A_39 : vector<256x2048xf32>
    %exp3A_41 = math.exp %sub3A_40 : vector<256x2048xf32>
    %reduce_sum3A_42 = arith.constant dense<0.000000e+00> : vector<256xf32>
    %reduce_sum3A_43 = vector.multi_reduction <add>, %exp3A_41, %reduce_sum3A_42 [1] : vector<256x2048xf32> to vector<256xf32>
    %broadcast_in_dim3A_44 = vector.shape_cast %reduce_sum3A_43 : vector<256xf32> to vector<256x1xf32>
    %div3A_45 = vector.broadcast %broadcast_in_dim3A_44 : vector<256x1xf32> to vector<256x2048xf32>
    %div3A_46 = arith.divf %exp3A_41, %div3A_45 : vector<256x2048xf32>
    %dot_general3A_47 = arith.constant dense<0.000000e+00> : vector<256x64xf32>
    %dot_general3A_48 = tpu.matmul %div3A_46, %slice3A_27, %dot_general3A_47 {dimension_numbers = #tpu.dot_dimension_numbers<[1], [0], [0], [1], [0, 0, 1, 1], [], []>, transpose_lhs_hint = false} : vector<256x2048xf32>, vector<2048x64xf32>, vector<256x64xf32> -> vector<256x64xf32>
    %concatenate3A = tpu.concatenate %dot_general3A_24, %dot_general3A_48 in 1 : vector<256x64xf32>, vector<256x64xf32> -> vector<256x128xf32>
    %swap3A = arith.constant 0 : index
    %swap3A_49 = arith.constant 0 : index
    %swap3A_50 = vector.load %arg5[%swap3A, %swap3A_49] : memref<256x128xf32, #tpu.memory_space<vmem>>, vector<256x128xf32>
    tpu.vector_store %arg5[%swap3A, %swap3A_49], %concatenate3A {strides = array<i32>} : memref<256x128xf32, #tpu.memory_space<vmem>>, vector<256x128xf32>,
    return
  }
  func.func @transform_0(%arg0: i32, %arg1: i32) -> (i32, i32) {
    %c0_i32 = arith.constant 0 : i32
    return %arg1, %arg0 : i32, i32
  }
  func.func @transform_1(%arg0: i32, %arg1: i32) -> (i32, i32) {
    %c0_i32 = arith.constant 0 : i32
    %c0_i32_0 = arith.constant 0 : i32
    return %c0_i32, %arg0 : i32, i32
  }
  func.func @transform_2(%arg0: i32, %arg1: i32) -> (i32, i32) {
    %c0_i32 = arith.constant 0 : i32
    %c0_i32_0 = arith.constant 0 : i32
    return %c0_i32, %arg0 : i32, i32
  }
  func.func @transform_3(%arg0: i32, %arg1: i32) -> (i32, i32) {
    %c0_i32 = arith.constant 0 : i32
    return %arg1, %arg0 : i32, i32
  }
}

module attributes {stable_mosaic.version = 14 : i64} {
  func.func @body(%arg0: i32, %arg1: memref<512x768xf32, #tpu.memory_space<vmem>>, %arg2: memref<768x768xf32, #tpu.memory_space<vmem>>, %arg3: memref<1x768xf32, #tpu.memory_space<vmem>>, %arg4: memref<512x768xf32, #tpu.memory_space<vmem>>, %arg5: memref<512x768xf32, #tpu.memory_space<vmem>>) attributes {dimension_semantics = [#tpu.dimension_semantics<arbitrary>], iteration_bounds = array<i64: 4>, scalar_prefetch = 0 : i64, scratch_operands = 0 : i64, tpu.core_type = #tpu.core_type<tc>, window_params = [{transform_indices = @transform_0, window_bounds = array<i64: 512, 768>}, {pipeline_mode = #tpu.pipeline_mode<synchronous>, transform_indices = @transform_1, window_bounds = array<i64: 768, 768>}, {pipeline_mode = #tpu.pipeline_mode<synchronous>, transform_indices = @transform_2, window_bounds = array<i64: 1, 768>}, {transform_indices = @transform_3, window_bounds = array<i64: 512, 768>}, {transform_indices = @transform_4, window_bounds = array<i64: 512, 768>}]} {
    %get3A = arith.constant 0 : index
    %get3A_0 = arith.constant 0 : index
    %get3A_1 = vector.load %arg1[%get3A, %get3A_0] : memref<512x768xf32, #tpu.memory_space<vmem>>, vector<512x768xf32>
    %get3A_2 = arith.constant 0 : index
    %get3A_3 = arith.constant 0 : index
    %get3A_4 = vector.load %arg2[%get3A_2, %get3A_3] : memref<768x768xf32, #tpu.memory_space<vmem>>, vector<768x768xf32>
    %dot_general3A = arith.constant dense<0.000000e+00> : vector<512x768xf32>
    %dot_general3A_5 = tpu.matmul %get3A_1, %get3A_4, %dot_general3A {dimension_numbers = #tpu.dot_dimension_numbers<[1], [0], [0], [1], [0, 0, 1, 1], [], []>, transpose_lhs_hint = false} : vector<512x768xf32>, vector<768x768xf32>, vector<512x768xf32> -> vector<512x768xf32>
    %get3A_6 = arith.constant 0 : index
    %get3A_7 = arith.constant 0 : index
    %get3A_8 = vector.load %arg3[%get3A_6, %get3A_7] : memref<1x768xf32, #tpu.memory_space<vmem>>, vector<1x768xf32>
    %add3A = vector.broadcast %get3A_8 : vector<1x768xf32> to vector<512x768xf32>
    %add3A_9 = arith.addf %dot_general3A_5, %add3A : vector<512x768xf32>
    %get3A_10 = arith.constant 0 : index
    %get3A_11 = arith.constant 0 : index
    %get3A_12 = vector.load %arg4[%get3A_10, %get3A_11] : memref<512x768xf32, #tpu.memory_space<vmem>>, vector<512x768xf32>
    %add3A_13 = arith.addf %add3A_9, %get3A_12 : vector<512x768xf32>
    %swap3A = arith.constant 0 : index
    %swap3A_14 = arith.constant 0 : index
    %swap3A_15 = vector.load %arg5[%swap3A, %swap3A_14] : memref<512x768xf32, #tpu.memory_space<vmem>>, vector<512x768xf32>
    tpu.vector_store %arg5[%swap3A, %swap3A_14], %add3A_13 {strides = array<i32>} : memref<512x768xf32, #tpu.memory_space<vmem>>, vector<512x768xf32>,
    return
  }
  func.func @transform_0(%arg0: i32) -> (i32, i32) {
    %c0_i32 = arith.constant 0 : i32
    %c0_i32_0 = arith.constant 0 : i32
    return %arg0, %c0_i32 : i32, i32
  }
  func.func @transform_1(%arg0: i32) -> (i32, i32) {
    %c0_i32 = arith.constant 0 : i32
    %c0_i32_0 = arith.constant 0 : i32
    %c0_i32_1 = arith.constant 0 : i32
    return %c0_i32, %c0_i32_0 : i32, i32
  }
  func.func @transform_2(%arg0: i32) -> (i32, i32) {
    %c0_i32 = arith.constant 0 : i32
    %c0_i32_0 = arith.constant 0 : i32
    %c0_i32_1 = arith.constant 0 : i32
    return %c0_i32, %c0_i32_0 : i32, i32
  }
  func.func @transform_3(%arg0: i32) -> (i32, i32) {
    %c0_i32 = arith.constant 0 : i32
    %c0_i32_0 = arith.constant 0 : i32
    return %arg0, %c0_i32 : i32, i32
  }
  func.func @transform_4(%arg0: i32) -> (i32, i32) {
    %c0_i32 = arith.constant 0 : i32
    %c0_i32_0 = arith.constant 0 : i32
    return %arg0, %c0_i32 : i32, i32
  }
}

module attributes {stable_mosaic.version = 14 : i64} {
  func.func @body(%arg0: i32, %arg1: memref<512x768xf32, #tpu.memory_space<vmem>>, %arg2: memref<512x768xf32, #tpu.memory_space<vmem>>, %arg3: memref<1x768xf32, #tpu.memory_space<vmem>>, %arg4: memref<1x768xf32, #tpu.memory_space<vmem>>, %arg5: memref<768x768xf32, #tpu.memory_space<vmem>>, %arg6: memref<1x768xf32, #tpu.memory_space<vmem>>, %arg7: memref<768x768xf32, #tpu.memory_space<vmem>>, %arg8: memref<1x768xf32, #tpu.memory_space<vmem>>, %arg9: memref<768x768xf32, #tpu.memory_space<vmem>>, %arg10: memref<1x768xf32, #tpu.memory_space<vmem>>, %arg11: memref<512x768xf32, #tpu.memory_space<vmem>>, %arg12: memref<512x768xf32, #tpu.memory_space<vmem>>, %arg13: memref<512x768xf32, #tpu.memory_space<vmem>>) attributes {dimension_semantics = [#tpu.dimension_semantics<arbitrary>], iteration_bounds = array<i64: 4>, scalar_prefetch = 0 : i64, scratch_operands = 0 : i64, tpu.core_type = #tpu.core_type<tc>, window_params = [{transform_indices = @transform_0, window_bounds = array<i64: 512, 768>}, {transform_indices = @transform_1, window_bounds = array<i64: 512, 768>}, {pipeline_mode = #tpu.pipeline_mode<synchronous>, transform_indices = @transform_2, window_bounds = array<i64: 1, 768>}, {pipeline_mode = #tpu.pipeline_mode<synchronous>, transform_indices = @transform_3, window_bounds = array<i64: 1, 768>}, {pipeline_mode = #tpu.pipeline_mode<synchronous>, transform_indices = @transform_4, window_bounds = array<i64: 768, 768>}, {pipeline_mode = #tpu.pipeline_mode<synchronous>, transform_indices = @transform_5, window_bounds = array<i64: 1, 768>}, {pipeline_mode = #tpu.pipeline_mode<synchronous>, transform_indices = @transform_6, window_bounds = array<i64: 768, 768>}, {pipeline_mode = #tpu.pipeline_mode<synchronous>, transform_indices = @transform_7, window_bounds = array<i64: 1, 768>}, {pipeline_mode = #tpu.pipeline_mode<synchronous>, transform_indices = @transform_8, window_bounds = array<i64: 768, 768>}, {pipeline_mode = #tpu.pipeline_mode<synchronous>, transform_indices = @transform_9, window_bounds = array<i64: 1, 768>}, {transform_indices = @transform_10, window_bounds = array<i64: 512, 768>}, {transform_indices = @transform_11, window_bounds = array<i64: 512, 768>}, {transform_indices = @transform_12, window_bounds = array<i64: 512, 768>}]} {
    %get3A = arith.constant 0 : index
    %get3A_0 = arith.constant 0 : index
    %get3A_1 = vector.load %arg1[%get3A, %get3A_0] : memref<512x768xf32, #tpu.memory_space<vmem>>, vector<512x768xf32>
    %get3A_2 = arith.constant 0 : index
    %get3A_3 = arith.constant 0 : index
    %get3A_4 = vector.load %arg3[%get3A_2, %get3A_3] : memref<1x768xf32, #tpu.memory_space<vmem>>, vector<1x768xf32>
    %get3A_5 = arith.constant 0 : index
    %get3A_6 = arith.constant 0 : index
    %get3A_7 = vector.load %arg4[%get3A_5, %get3A_6] : memref<1x768xf32, #tpu.memory_space<vmem>>, vector<1x768xf32>
    %reduce_sum3A = arith.constant dense<0.000000e+00> : vector<512xf32>
    %reduce_sum3A_8 = vector.multi_reduction <add>, %get3A_1, %reduce_sum3A [1] : vector<512x768xf32> to vector<512xf32>
    %broadcast_in_dim3A = vector.shape_cast %reduce_sum3A_8 : vector<512xf32> to vector<512x1xf32>
    %div3A = arith.constant 7.680000e+02 : f32
    %div3A_9 = vector.broadcast %div3A : f32 to vector<512x1xf32>
    %div3A_10 = arith.divf %broadcast_in_dim3A, %div3A_9 : vector<512x1xf32>
    %sub3A = vector.broadcast %div3A_10 : vector<512x1xf32> to vector<512x768xf32>
    %sub3A_11 = arith.subf %get3A_1, %sub3A : vector<512x768xf32>
    %sub3A_12 = vector.broadcast %div3A_10 : vector<512x1xf32> to vector<512x768xf32>
    %sub3A_13 = arith.subf %get3A_1, %sub3A_12 : vector<512x768xf32>
    %mul3A = arith.mulf %sub3A_11, %sub3A_13 : vector<512x768xf32>
    %reduce_sum3A_14 = arith.constant dense<0.000000e+00> : vector<512xf32>
    %reduce_sum3A_15 = vector.multi_reduction <add>, %mul3A, %reduce_sum3A_14 [1] : vector<512x768xf32> to vector<512xf32>
    %broadcast_in_dim3A_16 = vector.shape_cast %reduce_sum3A_15 : vector<512xf32> to vector<512x1xf32>
    %div3A_17 = arith.constant 7.680000e+02 : f32
    %div3A_18 = vector.broadcast %div3A_17 : f32 to vector<512x1xf32>
    %div3A_19 = arith.divf %broadcast_in_dim3A_16, %div3A_18 : vector<512x1xf32>
    %sub3A_20 = vector.broadcast %div3A_10 : vector<512x1xf32> to vector<512x768xf32>
    %sub3A_21 = arith.subf %get3A_1, %sub3A_20 : vector<512x768xf32>
    %add3A = arith.constant 9.99999997E-7 : f32
    %add3A_22 = vector.broadcast %add3A : f32 to vector<512x1xf32>
    %add3A_23 = arith.addf %div3A_19, %add3A_22 : vector<512x1xf32>
    %sqrt3A = math.sqrt %add3A_23 : vector<512x1xf32>
    %div3A_24 = vector.broadcast %sqrt3A : vector<512x1xf32> to vector<512x768xf32>
    %div3A_25 = arith.divf %sub3A_21, %div3A_24 : vector<512x768xf32>
    %mul3A_26 = vector.broadcast %get3A_4 : vector<1x768xf32> to vector<512x768xf32>
    %mul3A_27 = arith.mulf %div3A_25, %mul3A_26 : vector<512x768xf32>
    %add3A_28 = vector.broadcast %get3A_7 : vector<1x768xf32> to vector<512x768xf32>
    %add3A_29 = arith.addf %mul3A_27, %add3A_28 : vector<512x768xf32>
    %get3A_30 = arith.constant 0 : index
    %get3A_31 = arith.constant 0 : index
    %get3A_32 = vector.load %arg2[%get3A_30, %get3A_31] : memref<512x768xf32, #tpu.memory_space<vmem>>, vector<512x768xf32>
    %get3A_33 = arith.constant 0 : index
    %get3A_34 = arith.constant 0 : index
    %get3A_35 = vector.load %arg5[%get3A_33, %get3A_34] : memref<768x768xf32, #tpu.memory_space<vmem>>, vector<768x768xf32>
    %dot_general3A = arith.constant dense<0.000000e+00> : vector<512x768xf32>
    %dot_general3A_36 = tpu.matmul %add3A_29, %get3A_35, %dot_general3A {dimension_numbers = #tpu.dot_dimension_numbers<[1], [0], [0], [1], [0, 0, 1, 1], [], []>, transpose_lhs_hint = false} : vector<512x768xf32>, vector<768x768xf32>, vector<512x768xf32> -> vector<512x768xf32>
    %get3A_37 = arith.constant 0 : index
    %get3A_38 = arith.constant 0 : index
    %get3A_39 = vector.load %arg6[%get3A_37, %get3A_38] : memref<1x768xf32, #tpu.memory_space<vmem>>, vector<1x768xf32>
    %add3A_40 = vector.broadcast %get3A_39 : vector<1x768xf32> to vector<512x768xf32>
    %add3A_41 = arith.addf %dot_general3A_36, %add3A_40 : vector<512x768xf32>
    %swap3A = arith.constant 0 : index
    %swap3A_42 = arith.constant 0 : index
    %swap3A_43 = vector.load %arg11[%swap3A, %swap3A_42] : memref<512x768xf32, #tpu.memory_space<vmem>>, vector<512x768xf32>
    tpu.vector_store %arg11[%swap3A, %swap3A_42], %add3A_41 {strides = array<i32>} : memref<512x768xf32, #tpu.memory_space<vmem>>, vector<512x768xf32>,
    %get3A_44 = arith.constant 0 : index
    %get3A_45 = arith.constant 0 : index
    %get3A_46 = vector.load %arg7[%get3A_44, %get3A_45] : memref<768x768xf32, #tpu.memory_space<vmem>>, vector<768x768xf32>
    %dot_general3A_47 = arith.constant dense<0.000000e+00> : vector<512x768xf32>
    %dot_general3A_48 = tpu.matmul %get3A_32, %get3A_46, %dot_general3A_47 {dimension_numbers = #tpu.dot_dimension_numbers<[1], [0], [0], [1], [0, 0, 1, 1], [], []>, transpose_lhs_hint = false} : vector<512x768xf32>, vector<768x768xf32>, vector<512x768xf32> -> vector<512x768xf32>
    %get3A_49 = arith.constant 0 : index
    %get3A_50 = arith.constant 0 : index
    %get3A_51 = vector.load %arg8[%get3A_49, %get3A_50] : memref<1x768xf32, #tpu.memory_space<vmem>>, vector<1x768xf32>
    %add3A_52 = vector.broadcast %get3A_51 : vector<1x768xf32> to vector<512x768xf32>
    %add3A_53 = arith.addf %dot_general3A_48, %add3A_52 : vector<512x768xf32>
    %swap3A_54 = arith.constant 0 : index
    %swap3A_55 = arith.constant 0 : index
    %swap3A_56 = vector.load %arg12[%swap3A_54, %swap3A_55] : memref<512x768xf32, #tpu.memory_space<vmem>>, vector<512x768xf32>
    tpu.vector_store %arg12[%swap3A_54, %swap3A_55], %add3A_53 {strides = array<i32>} : memref<512x768xf32, #tpu.memory_space<vmem>>, vector<512x768xf32>,
    %get3A_57 = arith.constant 0 : index
    %get3A_58 = arith.constant 0 : index
    %get3A_59 = vector.load %arg9[%get3A_57, %get3A_58] : memref<768x768xf32, #tpu.memory_space<vmem>>, vector<768x768xf32>
    %dot_general3A_60 = arith.constant dense<0.000000e+00> : vector<512x768xf32>
    %dot_general3A_61 = tpu.matmul %get3A_32, %get3A_59, %dot_general3A_60 {dimension_numbers = #tpu.dot_dimension_numbers<[1], [0], [0], [1], [0, 0, 1, 1], [], []>, transpose_lhs_hint = false} : vector<512x768xf32>, vector<768x768xf32>, vector<512x768xf32> -> vector<512x768xf32>
    %get3A_62 = arith.constant 0 : index
    %get3A_63 = arith.constant 0 : index
    %get3A_64 = vector.load %arg10[%get3A_62, %get3A_63] : memref<1x768xf32, #tpu.memory_space<vmem>>, vector<1x768xf32>
    %add3A_65 = vector.broadcast %get3A_64 : vector<1x768xf32> to vector<512x768xf32>
    %add3A_66 = arith.addf %dot_general3A_61, %add3A_65 : vector<512x768xf32>
    %swap3A_67 = arith.constant 0 : index
    %swap3A_68 = arith.constant 0 : index
    %swap3A_69 = vector.load %arg13[%swap3A_67, %swap3A_68] : memref<512x768xf32, #tpu.memory_space<vmem>>, vector<512x768xf32>
    tpu.vector_store %arg13[%swap3A_67, %swap3A_68], %add3A_66 {strides = array<i32>} : memref<512x768xf32, #tpu.memory_space<vmem>>, vector<512x768xf32>,
    return
  }
  func.func @transform_0(%arg0: i32) -> (i32, i32) {
    %c0_i32 = arith.constant 0 : i32
    %c0_i32_0 = arith.constant 0 : i32
    return %arg0, %c0_i32 : i32, i32
  }
  func.func @transform_1(%arg0: i32) -> (i32, i32) {
    %c0_i32 = arith.constant 0 : i32
    %c0_i32_0 = arith.constant 0 : i32
    return %arg0, %c0_i32 : i32, i32
  }
  func.func @transform_2(%arg0: i32) -> (i32, i32) {
    %c0_i32 = arith.constant 0 : i32
    %c0_i32_0 = arith.constant 0 : i32
    %c0_i32_1 = arith.constant 0 : i32
    return %c0_i32, %c0_i32_0 : i32, i32
  }
  func.func @transform_3(%arg0: i32) -> (i32, i32) {
    %c0_i32 = arith.constant 0 : i32
    %c0_i32_0 = arith.constant 0 : i32
    %c0_i32_1 = arith.constant 0 : i32
    return %c0_i32, %c0_i32_0 : i32, i32
  }
  func.func @transform_4(%arg0: i32) -> (i32, i32) {
    %c0_i32 = arith.constant 0 : i32
    %c0_i32_0 = arith.constant 0 : i32
    %c0_i32_1 = arith.constant 0 : i32
    return %c0_i32, %c0_i32_0 : i32, i32
  }
  func.func @transform_5(%arg0: i32) -> (i32, i32) {
    %c0_i32 = arith.constant 0 : i32
    %c0_i32_0 = arith.constant 0 : i32
    %c0_i32_1 = arith.constant 0 : i32
    return %c0_i32, %c0_i32_0 : i32, i32
  }
  func.func @transform_6(%arg0: i32) -> (i32, i32) {
    %c0_i32 = arith.constant 0 : i32
    %c0_i32_0 = arith.constant 0 : i32
    %c0_i32_1 = arith.constant 0 : i32
    return %c0_i32, %c0_i32_0 : i32, i32
  }
  func.func @transform_7(%arg0: i32) -> (i32, i32) {
    %c0_i32 = arith.constant 0 : i32
    %c0_i32_0 = arith.constant 0 : i32
    %c0_i32_1 = arith.constant 0 : i32
    return %c0_i32, %c0_i32_0 : i32, i32
  }
  func.func @transform_8(%arg0: i32) -> (i32, i32) {
    %c0_i32 = arith.constant 0 : i32
    %c0_i32_0 = arith.constant 0 : i32
    %c0_i32_1 = arith.constant 0 : i32
    return %c0_i32, %c0_i32_0 : i32, i32
  }
  func.func @transform_9(%arg0: i32) -> (i32, i32) {
    %c0_i32 = arith.constant 0 : i32
    %c0_i32_0 = arith.constant 0 : i32
    %c0_i32_1 = arith.constant 0 : i32
    return %c0_i32, %c0_i32_0 : i32, i32
  }
  func.func @transform_10(%arg0: i32) -> (i32, i32) {
    %c0_i32 = arith.constant 0 : i32
    %c0_i32_0 = arith.constant 0 : i32
    return %arg0, %c0_i32 : i32, i32
  }
  func.func @transform_11(%arg0: i32) -> (i32, i32) {
    %c0_i32 = arith.constant 0 : i32
    %c0_i32_0 = arith.constant 0 : i32
    return %arg0, %c0_i32 : i32, i32
  }
  func.func @transform_12(%arg0: i32) -> (i32, i32) {
    %c0_i32 = arith.constant 0 : i32
    %c0_i32_0 = arith.constant 0 : i32
    return %arg0, %c0_i32 : i32, i32
  }
}

module attributes {stable_mosaic.version = 14 : i64} {
  func.func @body(%arg0: i32, %arg1: i32, %arg2: memref<256x128xf32, #tpu.memory_space<vmem>>, %arg3: memref<2048x128xf32, #tpu.memory_space<vmem>>, %arg4: memref<2048x128xf32, #tpu.memory_space<vmem>>, %arg5: memref<256x128xf32, #tpu.memory_space<vmem>>) attributes {dimension_semantics = [#tpu.dimension_semantics<arbitrary>, #tpu.dimension_semantics<arbitrary>], iteration_bounds = array<i64: 6, 8>, scalar_prefetch = 0 : i64, scratch_operands = 0 : i64, tpu.core_type = #tpu.core_type<tc>, window_params = [{transform_indices = @transform_0, window_bounds = array<i64: 256, 128>}, {transform_indices = @transform_1, window_bounds = array<i64: 2048, 128>}, {transform_indices = @transform_2, window_bounds = array<i64: 2048, 128>}, {transform_indices = @transform_3, window_bounds = array<i64: 256, 128>}]} {
    %get3A = arith.constant 0 : index
    %get3A_0 = arith.constant 0 : index
    %get3A_1 = vector.load %arg2[%get3A, %get3A_0] : memref<256x128xf32, #tpu.memory_space<vmem>>, vector<256x128xf32>
    %get3A_2 = arith.constant 0 : index
    %get3A_3 = arith.constant 0 : index
    %get3A_4 = vector.load %arg3[%get3A_2, %get3A_3] : memref<2048x128xf32, #tpu.memory_space<vmem>>, vector<2048x128xf32>
    %get3A_5 = arith.constant 0 : index
    %get3A_6 = arith.constant 0 : index
    %get3A_7 = vector.load %arg4[%get3A_5, %get3A_6] : memref<2048x128xf32, #tpu.memory_space<vmem>>, vector<2048x128xf32>
    %slice3A = vector.extract_strided_slice %get3A_1 {offsets = [0, 0], sizes = [256, 64], strides = [1, 1]} : vector<256x128xf32> to vector<256x64xf32>
    %slice3A_8 = vector.extract_strided_slice %get3A_4 {offsets = [0, 0], sizes = [2048, 64], strides = [1, 1]} : vector<2048x128xf32> to vector<2048x64xf32>
    %slice3A_9 = vector.extract_strided_slice %get3A_7 {offsets = [0, 0], sizes = [2048, 64], strides = [1, 1]} : vector<2048x128xf32> to vector<2048x64xf32>
    %dot_general3A = arith.constant dense<0.000000e+00> : vector<256x2048xf32>
    %dot_general3A_10 = tpu.matmul %slice3A, %slice3A_8, %dot_general3A {dimension_numbers = #tpu.dot_dimension_numbers<[1], [1], [0], [0], [0, 0, 1, 0], [], []>, transpose_lhs_hint = false} : vector<256x64xf32>, vector<2048x64xf32>, vector<256x2048xf32> -> vector<256x2048xf32>
    %mul3A = arith.constant 1.250000e-01 : f32
    %mul3A_11 = vector.broadcast %mul3A : f32 to vector<256x2048xf32>
    %mul3A_12 = arith.mulf %dot_general3A_10, %mul3A_11 : vector<256x2048xf32>
    %reduce_max3A = arith.constant dense<0xFF800000> : vector<256xf32>
    %reduce_max3A_13 = vector.multi_reduction <maximumf>, %mul3A_12, %reduce_max3A [1] : vector<256x2048xf32> to vector<256xf32>
    %broadcast_in_dim3A = vector.shape_cast %reduce_max3A_13 : vector<256xf32> to vector<256x1xf32>
    %sub3A = vector.broadcast %broadcast_in_dim3A : vector<256x1xf32> to vector<256x2048xf32>
    %sub3A_14 = arith.subf %mul3A_12, %sub3A : vector<256x2048xf32>
    %exp3A = math.exp %sub3A_14 : vector<256x2048xf32>
    %reduce_sum3A = arith.constant dense<0.000000e+00> : vector<256xf32>
    %reduce_sum3A_15 = vector.multi_reduction <add>, %exp3A, %reduce_sum3A [1] : vector<256x2048xf32> to vector<256xf32>
    %broadcast_in_dim3A_16 = vector.shape_cast %reduce_sum3A_15 : vector<256xf32> to vector<256x1xf32>
    %div3A = vector.broadcast %broadcast_in_dim3A_16 : vector<256x1xf32> to vector<256x2048xf32>
    %div3A_17 = arith.divf %exp3A, %div3A : vector<256x2048xf32>
    %dot_general3A_18 = arith.constant dense<0.000000e+00> : vector<256x64xf32>
    %dot_general3A_19 = tpu.matmul %div3A_17, %slice3A_9, %dot_general3A_18 {dimension_numbers = #tpu.dot_dimension_numbers<[1], [0], [0], [1], [0, 0, 1, 1], [], []>, transpose_lhs_hint = false} : vector<256x2048xf32>, vector<2048x64xf32>, vector<256x64xf32> -> vector<256x64xf32>
    %slice3A_20 = vector.extract_strided_slice %get3A_1 {offsets = [0, 64], sizes = [256, 64], strides = [1, 1]} : vector<256x128xf32> to vector<256x64xf32>
    %slice3A_21 = vector.extract_strided_slice %get3A_4 {offsets = [0, 64], sizes = [2048, 64], strides = [1, 1]} : vector<2048x128xf32> to vector<2048x64xf32>
    %slice3A_22 = vector.extract_strided_slice %get3A_7 {offsets = [0, 64], sizes = [2048, 64], strides = [1, 1]} : vector<2048x128xf32> to vector<2048x64xf32>
    %dot_general3A_23 = arith.constant dense<0.000000e+00> : vector<256x2048xf32>
    %dot_general3A_24 = tpu.matmul %slice3A_20, %slice3A_21, %dot_general3A_23 {dimension_numbers = #tpu.dot_dimension_numbers<[1], [1], [0], [0], [0, 0, 1, 0], [], []>, transpose_lhs_hint = false} : vector<256x64xf32>, vector<2048x64xf32>, vector<256x2048xf32> -> vector<256x2048xf32>
    %mul3A_25 = arith.constant 1.250000e-01 : f32
    %mul3A_26 = vector.broadcast %mul3A_25 : f32 to vector<256x2048xf32>
    %mul3A_27 = arith.mulf %dot_general3A_24, %mul3A_26 : vector<256x2048xf32>
    %reduce_max3A_28 = arith.constant dense<0xFF800000> : vector<256xf32>
    %reduce_max3A_29 = vector.multi_reduction <maximumf>, %mul3A_27, %reduce_max3A_28 [1] : vector<256x2048xf32> to vector<256xf32>
    %broadcast_in_dim3A_30 = vector.shape_cast %reduce_max3A_29 : vector<256xf32> to vector<256x1xf32>
    %sub3A_31 = vector.broadcast %broadcast_in_dim3A_30 : vector<256x1xf32> to vector<256x2048xf32>
    %sub3A_32 = arith.subf %mul3A_27, %sub3A_31 : vector<256x2048xf32>
    %exp3A_33 = math.exp %sub3A_32 : vector<256x2048xf32>
    %reduce_sum3A_34 = arith.constant dense<0.000000e+00> : vector<256xf32>
    %reduce_sum3A_35 = vector.multi_reduction <add>, %exp3A_33, %reduce_sum3A_34 [1] : vector<256x2048xf32> to vector<256xf32>
    %broadcast_in_dim3A_36 = vector.shape_cast %reduce_sum3A_35 : vector<256xf32> to vector<256x1xf32>
    %div3A_37 = vector.broadcast %broadcast_in_dim3A_36 : vector<256x1xf32> to vector<256x2048xf32>
    %div3A_38 = arith.divf %exp3A_33, %div3A_37 : vector<256x2048xf32>
    %dot_general3A_39 = arith.constant dense<0.000000e+00> : vector<256x64xf32>
    %dot_general3A_40 = tpu.matmul %div3A_38, %slice3A_22, %dot_general3A_39 {dimension_numbers = #tpu.dot_dimension_numbers<[1], [0], [0], [1], [0, 0, 1, 1], [], []>, transpose_lhs_hint = false} : vector<256x2048xf32>, vector<2048x64xf32>, vector<256x64xf32> -> vector<256x64xf32>
    %concatenate3A = tpu.concatenate %dot_general3A_19, %dot_general3A_40 in 1 : vector<256x64xf32>, vector<256x64xf32> -> vector<256x128xf32>
    %swap3A = arith.constant 0 : index
    %swap3A_41 = arith.constant 0 : index
    %swap3A_42 = vector.load %arg5[%swap3A, %swap3A_41] : memref<256x128xf32, #tpu.memory_space<vmem>>, vector<256x128xf32>
    tpu.vector_store %arg5[%swap3A, %swap3A_41], %concatenate3A {strides = array<i32>} : memref<256x128xf32, #tpu.memory_space<vmem>>, vector<256x128xf32>,
    return
  }
  func.func @transform_0(%arg0: i32, %arg1: i32) -> (i32, i32) {
    %c0_i32 = arith.constant 0 : i32
    return %arg1, %arg0 : i32, i32
  }
  func.func @transform_1(%arg0: i32, %arg1: i32) -> (i32, i32) {
    %c0_i32 = arith.constant 0 : i32
    %c0_i32_0 = arith.constant 0 : i32
    return %c0_i32, %arg0 : i32, i32
  }
  func.func @transform_2(%arg0: i32, %arg1: i32) -> (i32, i32) {
    %c0_i32 = arith.constant 0 : i32
    %c0_i32_0 = arith.constant 0 : i32
    return %c0_i32, %arg0 : i32, i32
  }
  func.func @transform_3(%arg0: i32, %arg1: i32) -> (i32, i32) {
    %c0_i32 = arith.constant 0 : i32
    return %arg1, %arg0 : i32, i32
  }
}

module attributes {stable_mosaic.version = 14 : i64} {
  func.func @body(%arg0: i32, %arg1: i32, %arg2: memref<512x768xf32, #tpu.memory_space<vmem>>, %arg3: memref<1x768xf32, #tpu.memory_space<vmem>>, %arg4: memref<1x768xf32, #tpu.memory_space<vmem>>, %arg5: memref<768x1536xf32, #tpu.memory_space<vmem>>, %arg6: memref<1x1536xf32, #tpu.memory_space<vmem>>, %arg7: memref<512x1536xf32, #tpu.memory_space<vmem>>) attributes {dimension_semantics = [#tpu.dimension_semantics<arbitrary>, #tpu.dimension_semantics<arbitrary>], iteration_bounds = array<i64: 2, 4>, scalar_prefetch = 0 : i64, scratch_operands = 0 : i64, tpu.core_type = #tpu.core_type<tc>, window_params = [{transform_indices = @transform_0, window_bounds = array<i64: 512, 768>}, {pipeline_mode = #tpu.pipeline_mode<synchronous>, transform_indices = @transform_1, window_bounds = array<i64: 1, 768>}, {pipeline_mode = #tpu.pipeline_mode<synchronous>, transform_indices = @transform_2, window_bounds = array<i64: 1, 768>}, {transform_indices = @transform_3, window_bounds = array<i64: 768, 1536>}, {transform_indices = @transform_4, window_bounds = array<i64: 1, 1536>}, {transform_indices = @transform_5, window_bounds = array<i64: 512, 1536>}]} {
    %get3A = arith.constant 0 : index
    %get3A_0 = arith.constant 0 : index
    %get3A_1 = vector.load %arg2[%get3A, %get3A_0] : memref<512x768xf32, #tpu.memory_space<vmem>>, vector<512x768xf32>
    %get3A_2 = arith.constant 0 : index
    %get3A_3 = arith.constant 0 : index
    %get3A_4 = vector.load %arg3[%get3A_2, %get3A_3] : memref<1x768xf32, #tpu.memory_space<vmem>>, vector<1x768xf32>
    %get3A_5 = arith.constant 0 : index
    %get3A_6 = arith.constant 0 : index
    %get3A_7 = vector.load %arg4[%get3A_5, %get3A_6] : memref<1x768xf32, #tpu.memory_space<vmem>>, vector<1x768xf32>
    %reduce_sum3A = arith.constant dense<0.000000e+00> : vector<512xf32>
    %reduce_sum3A_8 = vector.multi_reduction <add>, %get3A_1, %reduce_sum3A [1] : vector<512x768xf32> to vector<512xf32>
    %broadcast_in_dim3A = vector.shape_cast %reduce_sum3A_8 : vector<512xf32> to vector<512x1xf32>
    %div3A = arith.constant 7.680000e+02 : f32
    %div3A_9 = vector.broadcast %div3A : f32 to vector<512x1xf32>
    %div3A_10 = arith.divf %broadcast_in_dim3A, %div3A_9 : vector<512x1xf32>
    %sub3A = vector.broadcast %div3A_10 : vector<512x1xf32> to vector<512x768xf32>
    %sub3A_11 = arith.subf %get3A_1, %sub3A : vector<512x768xf32>
    %sub3A_12 = vector.broadcast %div3A_10 : vector<512x1xf32> to vector<512x768xf32>
    %sub3A_13 = arith.subf %get3A_1, %sub3A_12 : vector<512x768xf32>
    %mul3A = arith.mulf %sub3A_11, %sub3A_13 : vector<512x768xf32>
    %reduce_sum3A_14 = arith.constant dense<0.000000e+00> : vector<512xf32>
    %reduce_sum3A_15 = vector.multi_reduction <add>, %mul3A, %reduce_sum3A_14 [1] : vector<512x768xf32> to vector<512xf32>
    %broadcast_in_dim3A_16 = vector.shape_cast %reduce_sum3A_15 : vector<512xf32> to vector<512x1xf32>
    %div3A_17 = arith.constant 7.680000e+02 : f32
    %div3A_18 = vector.broadcast %div3A_17 : f32 to vector<512x1xf32>
    %div3A_19 = arith.divf %broadcast_in_dim3A_16, %div3A_18 : vector<512x1xf32>
    %sub3A_20 = vector.broadcast %div3A_10 : vector<512x1xf32> to vector<512x768xf32>
    %sub3A_21 = arith.subf %get3A_1, %sub3A_20 : vector<512x768xf32>
    %add3A = arith.constant 9.99999997E-7 : f32
    %add3A_22 = vector.broadcast %add3A : f32 to vector<512x1xf32>
    %add3A_23 = arith.addf %div3A_19, %add3A_22 : vector<512x1xf32>
    %sqrt3A = math.sqrt %add3A_23 : vector<512x1xf32>
    %div3A_24 = vector.broadcast %sqrt3A : vector<512x1xf32> to vector<512x768xf32>
    %div3A_25 = arith.divf %sub3A_21, %div3A_24 : vector<512x768xf32>
    %mul3A_26 = vector.broadcast %get3A_4 : vector<1x768xf32> to vector<512x768xf32>
    %mul3A_27 = arith.mulf %div3A_25, %mul3A_26 : vector<512x768xf32>
    %add3A_28 = vector.broadcast %get3A_7 : vector<1x768xf32> to vector<512x768xf32>
    %add3A_29 = arith.addf %mul3A_27, %add3A_28 : vector<512x768xf32>
    %get3A_30 = arith.constant 0 : index
    %get3A_31 = arith.constant 0 : index
    %get3A_32 = vector.load %arg5[%get3A_30, %get3A_31] : memref<768x1536xf32, #tpu.memory_space<vmem>>, vector<768x1536xf32>
    %dot_general3A = arith.constant dense<0.000000e+00> : vector<512x1536xf32>
    %dot_general3A_33 = tpu.matmul %add3A_29, %get3A_32, %dot_general3A {dimension_numbers = #tpu.dot_dimension_numbers<[1], [0], [0], [1], [0, 0, 1, 1], [], []>, transpose_lhs_hint = false} : vector<512x768xf32>, vector<768x1536xf32>, vector<512x1536xf32> -> vector<512x1536xf32>
    %get3A_34 = arith.constant 0 : index
    %get3A_35 = arith.constant 0 : index
    %get3A_36 = vector.load %arg6[%get3A_34, %get3A_35] : memref<1x1536xf32, #tpu.memory_space<vmem>>, vector<1x1536xf32>
    %add3A_37 = vector.broadcast %get3A_36 : vector<1x1536xf32> to vector<512x1536xf32>
    %add3A_38 = arith.addf %dot_general3A_33, %add3A_37 : vector<512x1536xf32>
    %integer_pow3A = arith.mulf %add3A_38, %add3A_38 : vector<512x1536xf32>
    %integer_pow3A_39 = arith.mulf %add3A_38, %integer_pow3A : vector<512x1536xf32>
    %mul3A_40 = arith.constant 4.471500e-02 : f32
    %mul3A_41 = vector.broadcast %mul3A_40 : f32 to vector<512x1536xf32>
    %mul3A_42 = arith.mulf %mul3A_41, %integer_pow3A_39 : vector<512x1536xf32>
    %add3A_43 = arith.addf %add3A_38, %mul3A_42 : vector<512x1536xf32>
    %mul3A_44 = arith.constant 0.797884583 : f32
    %mul3A_45 = vector.broadcast %mul3A_44 : f32 to vector<512x1536xf32>
    %mul3A_46 = arith.mulf %mul3A_45, %add3A_43 : vector<512x1536xf32>
    %tanh3A = math.tanh %mul3A_46 : vector<512x1536xf32>
    %add3A_47 = arith.constant 1.000000e+00 : f32
    %add3A_48 = vector.broadcast %add3A_47 : f32 to vector<512x1536xf32>
    %add3A_49 = arith.addf %add3A_48, %tanh3A : vector<512x1536xf32>
    %mul3A_50 = arith.constant 5.000000e-01 : f32
    %mul3A_51 = vector.broadcast %mul3A_50 : f32 to vector<512x1536xf32>
    %mul3A_52 = arith.mulf %mul3A_51, %add3A_49 : vector<512x1536xf32>
    %mul3A_53 = arith.mulf %add3A_38, %mul3A_52 : vector<512x1536xf32>
    %swap3A = arith.constant 0 : index
    %swap3A_54 = arith.constant 0 : index
    %swap3A_55 = vector.load %arg7[%swap3A, %swap3A_54] : memref<512x1536xf32, #tpu.memory_space<vmem>>, vector<512x1536xf32>
    tpu.vector_store %arg7[%swap3A, %swap3A_54], %mul3A_53 {strides = array<i32>} : memref<512x1536xf32, #tpu.memory_space<vmem>>, vector<512x1536xf32>,
    return
  }
  func.func @transform_0(%arg0: i32, %arg1: i32) -> (i32, i32) {
    %c0_i32 = arith.constant 0 : i32
    %c0_i32_0 = arith.constant 0 : i32
    return %arg1, %c0_i32 : i32, i32
  }
  func.func @transform_1(%arg0: i32, %arg1: i32) -> (i32, i32) {
    %c0_i32 = arith.constant 0 : i32
    %c0_i32_0 = arith.constant 0 : i32
    %c0_i32_1 = arith.constant 0 : i32
    return %c0_i32, %c0_i32_0 : i32, i32
  }
  func.func @transform_2(%arg0: i32, %arg1: i32) -> (i32, i32) {
    %c0_i32 = arith.constant 0 : i32
    %c0_i32_0 = arith.constant 0 : i32
    %c0_i32_1 = arith.constant 0 : i32
    return %c0_i32, %c0_i32_0 : i32, i32
  }
  func.func @transform_3(%arg0: i32, %arg1: i32) -> (i32, i32) {
    %c0_i32 = arith.constant 0 : i32
    %c0_i32_0 = arith.constant 0 : i32
    return %c0_i32, %arg0 : i32, i32
  }
  func.func @transform_4(%arg0: i32, %arg1: i32) -> (i32, i32) {
    %c0_i32 = arith.constant 0 : i32
    %c0_i32_0 = arith.constant 0 : i32
    return %c0_i32, %arg0 : i32, i32
  }
  func.func @transform_5(%arg0: i32, %arg1: i32) -> (i32, i32) {
    %c0_i32 = arith.constant 0 : i32
    return %arg1, %arg0 : i32, i32
  }
}

module attributes {stable_mosaic.version = 14 : i64} {
  func.func @body(%arg0: i32, %arg1: memref<256x3072xf32, #tpu.memory_space<vmem>>, %arg2: memref<3072x768xf32, #tpu.memory_space<vmem>>, %arg3: memref<1x768xf32, #tpu.memory_space<vmem>>, %arg4: memref<256x768xf32, #tpu.memory_space<vmem>>, %arg5: memref<256x768xf32, #tpu.memory_space<vmem>>) attributes {dimension_semantics = [#tpu.dimension_semantics<arbitrary>], iteration_bounds = array<i64: 8>, scalar_prefetch = 0 : i64, scratch_operands = 0 : i64, tpu.core_type = #tpu.core_type<tc>, window_params = [{transform_indices = @transform_0, window_bounds = array<i64: 256, 3072>}, {pipeline_mode = #tpu.pipeline_mode<synchronous>, transform_indices = @transform_1, window_bounds = array<i64: 3072, 768>}, {pipeline_mode = #tpu.pipeline_mode<synchronous>, transform_indices = @transform_2, window_bounds = array<i64: 1, 768>}, {transform_indices = @transform_3, window_bounds = array<i64: 256, 768>}, {transform_indices = @transform_4, window_bounds = array<i64: 256, 768>}]} {
    %get3A = arith.constant 0 : index
    %get3A_0 = arith.constant 0 : index
    %get3A_1 = vector.load %arg1[%get3A, %get3A_0] : memref<256x3072xf32, #tpu.memory_space<vmem>>, vector<256x3072xf32>
    %get3A_2 = arith.constant 0 : index
    %get3A_3 = arith.constant 0 : index
    %get3A_4 = vector.load %arg2[%get3A_2, %get3A_3] : memref<3072x768xf32, #tpu.memory_space<vmem>>, vector<3072x768xf32>
    %dot_general3A = arith.constant dense<0.000000e+00> : vector<256x768xf32>
    %dot_general3A_5 = tpu.matmul %get3A_1, %get3A_4, %dot_general3A {dimension_numbers = #tpu.dot_dimension_numbers<[1], [0], [0], [1], [0, 0, 1, 1], [], []>, transpose_lhs_hint = false} : vector<256x3072xf32>, vector<3072x768xf32>, vector<256x768xf32> -> vector<256x768xf32>
    %get3A_6 = arith.constant 0 : index
    %get3A_7 = arith.constant 0 : index
    %get3A_8 = vector.load %arg3[%get3A_6, %get3A_7] : memref<1x768xf32, #tpu.memory_space<vmem>>, vector<1x768xf32>
    %add3A = vector.broadcast %get3A_8 : vector<1x768xf32> to vector<256x768xf32>
    %add3A_9 = arith.addf %dot_general3A_5, %add3A : vector<256x768xf32>
    %get3A_10 = arith.constant 0 : index
    %get3A_11 = arith.constant 0 : index
    %get3A_12 = vector.load %arg4[%get3A_10, %get3A_11] : memref<256x768xf32, #tpu.memory_space<vmem>>, vector<256x768xf32>
    %add3A_13 = arith.addf %add3A_9, %get3A_12 : vector<256x768xf32>
    %swap3A = arith.constant 0 : index
    %swap3A_14 = arith.constant 0 : index
    %swap3A_15 = vector.load %arg5[%swap3A, %swap3A_14] : memref<256x768xf32, #tpu.memory_space<vmem>>, vector<256x768xf32>
    tpu.vector_store %arg5[%swap3A, %swap3A_14], %add3A_13 {strides = array<i32>} : memref<256x768xf32, #tpu.memory_space<vmem>>, vector<256x768xf32>,
    return
  }
  func.func @transform_0(%arg0: i32) -> (i32, i32) {
    %c0_i32 = arith.constant 0 : i32
    %c0_i32_0 = arith.constant 0 : i32
    return %arg0, %c0_i32 : i32, i32
  }
  func.func @transform_1(%arg0: i32) -> (i32, i32) {
    %c0_i32 = arith.constant 0 : i32
    %c0_i32_0 = arith.constant 0 : i32
    %c0_i32_1 = arith.constant 0 : i32
    return %c0_i32, %c0_i32_0 : i32, i32
  }
  func.func @transform_2(%arg0: i32) -> (i32, i32) {
    %c0_i32 = arith.constant 0 : i32
    %c0_i32_0 = arith.constant 0 : i32
    %c0_i32_1 = arith.constant 0 : i32
    return %c0_i32, %c0_i32_0 : i32, i32
  }
  func.func @transform_3(%arg0: i32) -> (i32, i32) {
    %c0_i32 = arith.constant 0 : i32
    %c0_i32_0 = arith.constant 0 : i32
    return %arg0, %c0_i32 : i32, i32
  }
  func.func @transform_4(%arg0: i32) -> (i32, i32) {
    %c0_i32 = arith.constant 0 : i32
    %c0_i32_0 = arith.constant 0 : i32
    return %arg0, %c0_i32 : i32, i32
  }
}

module attributes {stable_mosaic.version = 14 : i64} {
  func.func @body(%arg0: i32, %arg1: memref<512x768xf32, #tpu.memory_space<vmem>>, %arg2: memref<1x768xf32, #tpu.memory_space<vmem>>, %arg3: memref<1x768xf32, #tpu.memory_space<vmem>>, %arg4: memref<512x768xf32, #tpu.memory_space<vmem>>) attributes {dimension_semantics = [#tpu.dimension_semantics<arbitrary>], iteration_bounds = array<i64: 4>, scalar_prefetch = 0 : i64, scratch_operands = 0 : i64, tpu.core_type = #tpu.core_type<tc>, window_params = [{transform_indices = @transform_0, window_bounds = array<i64: 512, 768>}, {pipeline_mode = #tpu.pipeline_mode<synchronous>, transform_indices = @transform_1, window_bounds = array<i64: 1, 768>}, {pipeline_mode = #tpu.pipeline_mode<synchronous>, transform_indices = @transform_2, window_bounds = array<i64: 1, 768>}, {transform_indices = @transform_3, window_bounds = array<i64: 512, 768>}]} {
    %get3A = arith.constant 0 : index
    %get3A_0 = arith.constant 0 : index
    %get3A_1 = vector.load %arg1[%get3A, %get3A_0] : memref<512x768xf32, #tpu.memory_space<vmem>>, vector<512x768xf32>
    %get3A_2 = arith.constant 0 : index
    %get3A_3 = arith.constant 0 : index
    %get3A_4 = vector.load %arg2[%get3A_2, %get3A_3] : memref<1x768xf32, #tpu.memory_space<vmem>>, vector<1x768xf32>
    %get3A_5 = arith.constant 0 : index
    %get3A_6 = arith.constant 0 : index
    %get3A_7 = vector.load %arg3[%get3A_5, %get3A_6] : memref<1x768xf32, #tpu.memory_space<vmem>>, vector<1x768xf32>
    %reduce_sum3A = arith.constant dense<0.000000e+00> : vector<512xf32>
    %reduce_sum3A_8 = vector.multi_reduction <add>, %get3A_1, %reduce_sum3A [1] : vector<512x768xf32> to vector<512xf32>
    %broadcast_in_dim3A = vector.shape_cast %reduce_sum3A_8 : vector<512xf32> to vector<512x1xf32>
    %div3A = arith.constant 7.680000e+02 : f32
    %div3A_9 = vector.broadcast %div3A : f32 to vector<512x1xf32>
    %div3A_10 = arith.divf %broadcast_in_dim3A, %div3A_9 : vector<512x1xf32>
    %sub3A = vector.broadcast %div3A_10 : vector<512x1xf32> to vector<512x768xf32>
    %sub3A_11 = arith.subf %get3A_1, %sub3A : vector<512x768xf32>
    %sub3A_12 = vector.broadcast %div3A_10 : vector<512x1xf32> to vector<512x768xf32>
    %sub3A_13 = arith.subf %get3A_1, %sub3A_12 : vector<512x768xf32>
    %mul3A = arith.mulf %sub3A_11, %sub3A_13 : vector<512x768xf32>
    %reduce_sum3A_14 = arith.constant dense<0.000000e+00> : vector<512xf32>
    %reduce_sum3A_15 = vector.multi_reduction <add>, %mul3A, %reduce_sum3A_14 [1] : vector<512x768xf32> to vector<512xf32>
    %broadcast_in_dim3A_16 = vector.shape_cast %reduce_sum3A_15 : vector<512xf32> to vector<512x1xf32>
    %div3A_17 = arith.constant 7.680000e+02 : f32
    %div3A_18 = vector.broadcast %div3A_17 : f32 to vector<512x1xf32>
    %div3A_19 = arith.divf %broadcast_in_dim3A_16, %div3A_18 : vector<512x1xf32>
    %sub3A_20 = vector.broadcast %div3A_10 : vector<512x1xf32> to vector<512x768xf32>
    %sub3A_21 = arith.subf %get3A_1, %sub3A_20 : vector<512x768xf32>
    %add3A = arith.constant 9.99999997E-7 : f32
    %add3A_22 = vector.broadcast %add3A : f32 to vector<512x1xf32>
    %add3A_23 = arith.addf %div3A_19, %add3A_22 : vector<512x1xf32>
    %sqrt3A = math.sqrt %add3A_23 : vector<512x1xf32>
    %div3A_24 = vector.broadcast %sqrt3A : vector<512x1xf32> to vector<512x768xf32>
    %div3A_25 = arith.divf %sub3A_21, %div3A_24 : vector<512x768xf32>
    %mul3A_26 = vector.broadcast %get3A_4 : vector<1x768xf32> to vector<512x768xf32>
    %mul3A_27 = arith.mulf %div3A_25, %mul3A_26 : vector<512x768xf32>
    %add3A_28 = vector.broadcast %get3A_7 : vector<1x768xf32> to vector<512x768xf32>
    %add3A_29 = arith.addf %mul3A_27, %add3A_28 : vector<512x768xf32>
    %swap3A = arith.constant 0 : index
    %swap3A_30 = arith.constant 0 : index
    %swap3A_31 = vector.load %arg4[%swap3A, %swap3A_30] : memref<512x768xf32, #tpu.memory_space<vmem>>, vector<512x768xf32>
    tpu.vector_store %arg4[%swap3A, %swap3A_30], %add3A_29 {strides = array<i32>} : memref<512x768xf32, #tpu.memory_space<vmem>>, vector<512x768xf32>,
    return
  }
  func.func @transform_0(%arg0: i32) -> (i32, i32) {
    %c0_i32 = arith.constant 0 : i32
    %c0_i32_0 = arith.constant 0 : i32
    return %arg0, %c0_i32 : i32, i32
  }
  func.func @transform_1(%arg0: i32) -> (i32, i32) {
    %c0_i32 = arith.constant 0 : i32
    %c0_i32_0 = arith.constant 0 : i32
    %c0_i32_1 = arith.constant 0 : i32
    return %c0_i32, %c0_i32_0 : i32, i32
  }
  func.func @transform_2(%arg0: i32) -> (i32, i32) {
    %c0_i32 = arith.constant 0 : i32
    %c0_i32_0 = arith.constant 0 : i32
    %c0_i32_1 = arith.constant 0 : i32
    return %c0_i32, %c0_i32_0 : i32, i32
  }
  func.func @transform_3(%arg0: i32) -> (i32, i32) {
    %c0_i32 = arith.constant 0 : i32
    %c0_i32_0 = arith.constant 0 : i32
    return %arg0, %c0_i32 : i32, i32
  }
}

</mosaic_0001>

<sc_bundles>
// kernel: kernel.21.cloned.1.call-start
scs
__scs_entry_jumppad:
0x0: {  	(pc) =	sbr.rel $0x88, $3  }
0x1: {  	(tag) =	ssettag $0x0;
	lr =	simm.s32 $0x1  }
0x2: {  	[smem:$0x3F82] =	sst lr;
	_ =	strace $0xD0000000  }
0x3: {  	_ = 	snop  }
0x4: {  	_ = 	snop  }
0x5: {  	_ = 	snop  }
0x6: {  	_ = 	snop  }
0x7: {  	_ = 	snop  }
__scs_overlays_trampoline_lowered:
0x8: {  	[smem:$0x3F91] =	sst s0  }
0x9: {  	[smem:$0x3F92] =	sst s1  }
0xa: {  	[smem:$0x3F93] =	sst s2  }
0xb: {  	[smem:$0x3F94] =	sst s3  }
0xc: {  	[smem:$0x3F95] =	sst s4  }
0xd: {  	[smem:$0x3F96] =	sst s5  }
0xe: {  	[smem:$0x3F97] =	sst s6  }
0xf: {  	[smem:$0x3F98] =	sst s7  }
0x10: {  	[smem:$0x3F99] =	sst s8  }
0x11: {  	[smem:$0x3F9A] =	sst s9;
	s0 =	simm.s32 @!p0 $0x0  }
0x12: {  	s1 =	sld [smem:$0x3F80];
	s0 =	simm.s32 @p0 $0x1  }
0x13: {  	[smem:$0x3F9B] =	sst s0;
	s0 =	simm.s32 @!p1 $0x0  }
0x14: {  	s2 =	sld [smem:$0x3F7F];
	s0 =	simm.s32 @p1 $0x1  }
0x15: {  	[smem:$0x3F9C] =	sst s0;
	s0 =	simm.s32 @!p2 $0x0  }
0x16: {  	s3 =	sld [smem:$0x3FDB];
	s0 =	simm.s32 @p2 $0x1  }
0x17: {  	s4 =	simm.s32 $0x1BF5;
	[smem:$0x3F9E] =	sst s0  }
0x18: {  	s0 =	sld [smem:$0x3F81];
	_ =	swait.ge [sflag:s4], $0x0  }
0x19: {  	s7 =	sld [smem:$0x3F82]  }
0x1a: {  	s8 =	sadd.s32 $0xFFFFE003, lr  }
0x1b: {  	s9 =	sadd.s32 $0xFFFFFEF7, lr;
	s5 =	simm.s32 $0xFFFFFFFF;
	p2 =	slt.u32 s8, $0xFFFFF086  }
0x1c: {  	p1 =	slt.u32 s9, $0xF7A;
	s5 =	simm.s32 @!p2 $0x0  }
0x1d: {  	s5 =	simm.s32 @p1 $0x1;
	p0 =	seq.s32 s7, s2  }
0x1e: {  	s7 =	smul.u32 @!p0 $0xF7A, s2;
	p2 =	seq.s32 @!p0 s5, $0x0  }
0x1f: {  	s9 =	smul.u32 $0xF7A, s1;
	s8 =	simm.s32 @!p0 $0x1BF5;
	p2 =	por !p2, p0  }
0x20: {  	[sflag:s8] =	ssyncset.s32 @!p0 $0xFFFFF086;
	s6 =	sadd.s32 @!p0 s3, s7;
	s7 =	simm.s32 @!p0 $0x108  }
0x21: {  	s3 =	sadd.s32 s3, s9;
	s6 =	sadd.s32 @!p0 $0x88, s6;
	s7 =	simm.s32 @p2 $0x1082  }
0x22: {  	[simem:s7], [sflag:s8] =	dma.local @!p0 [hbm:s6], $0xF7A  }
0x23: {  	s9 =	sor.u32 $0xD0000000, s2;
	s6 =	simm.s32 $0x108;
	_ =	swait.ge @!p0 [sflag:s8], $0x0  }
0x24: {  	s3 =	sadd.s32 $0x88, s3;
	s6 =	simm.s32 @!p1 $0x1082;
	[sflag:s4] =	ssyncset.s32 $0xFFFFF086  }
0x25: {  	[simem:s6], [sflag:s4] =	dma.local [hbm:s3], $0xF7A  }
0x26: {  	[smem:$0x3F82] =	sst s1;
	(tag) =	ssettag s2;
	_ =	strace s9  }
0x27: {  	s1 =	sld [smem:$0x3F92]  }
0x28: {  	s2 =	sld [smem:$0x3F93]  }
0x29: {  	s4 =	sld [smem:$0x3F95]  }
0x2a: {  	p0 =	seq.s32 s5, $0x0;
	s5 =	sld [smem:$0x3F96]  }
0x2b: {  	s6 =	sld [smem:$0x3F97]  }
0x2c: {  	s7 =	sld [smem:$0x3F98]  }
0x2d: {  	s3 =	simm.s32 $0x108;
	s8 =	sld [smem:$0x3F99]  }
0x2e: {  	s3 =	simm.s32 @!p0 $0x1082;
	s9 =	sld [smem:$0x3F9A]  }
0x2f: {  	lr =	sadd.s32 s0, s3;
	s0 =	sld [smem:$0x3F91]  }
0x30: {  	s3 =	sld [smem:$0x3F94]  }
0x31: {  	[smem:$0x3F9D] =	sst s10  }
0x32: {  	s10 =	sld [smem:$0x3F9B];
	_ =	sdelay $0x3  }
0x33: {  	p0 =	seq.s32 s10, $0x1;
	s10 =	sld [smem:$0x3F9D];
	_ =	sdelay $0x3  }
0x34: {  	[smem:$0x3F9D] =	sst s10  }
0x35: {  	s10 =	sld [smem:$0x3F9C];
	_ =	sdelay $0x3  }
0x36: {  	p1 =	seq.s32 s10, $0x1;
	s10 =	sld [smem:$0x3F9D];
	_ =	sdelay $0x3  }
0x37: {  	[smem:$0x3F9D] =	sst s10  }
0x38: {  	s10 =	sld [smem:$0x3F9E]  }
0x39: {  	_ = 	snop;
	(pc) =	sbr.ind lr, $3  }
0x3a: {  	_ = 	snop  }
0x3b: {  	_ = 	snop  }
0x3c: {  	p2 =	seq.s32 s10, $0x1;
	s10 =	sld [smem:$0x3F9D]  }
0x3d: {  	_ =	shalt  }
0x3e: {  	_ =	shalt  }
0x3f: {  	_ =	shalt  }
0x40: {  	_ =	shalt  }
0x41: {  	_ =	shalt  }
0x42: {  	_ =	shalt  }
0x43: {  	_ =	shalt  }
0x44: {  	_ =	shalt  }
0x45: {  	_ =	shalt  }
0x46: {  	_ =	shalt  }
0x47: {  	_ =	shalt  }
0x48: {  	_ =	shalt  }
0x49: {  	_ =	shalt  }
0x4a: {  	_ =	shalt  }
0x4b: {  	_ =	shalt  }
0x4c: {  	_ =	shalt  }
0x4d: {  	_ =	shalt  }
0x4e: {  	_ =	shalt  }
0x4f: {  	_ =	shalt  }
0x50: {  	_ =	shalt  }
0x51: {  	_ =	shalt  }
0x52: {  	_ =	shalt  }
0x53: {  	_ =	shalt  }
0x54: {  	_ =	shalt  }
0x55: {  	_ =	shalt  }
0x56: {  	_ =	shalt  }
0x57: {  	_ =	shalt  }
0x58: {  	_ =	shalt  }
0x59: {  	_ =	shalt  }
0x5a: {  	_ =	shalt  }
0x5b: {  	_ =	shalt  }
0x5c: {  	_ =	shalt  }
0x5d: {  	_ =	shalt  }
0x5e: {  	_ =	shalt  }
0x5f: {  	_ =	shalt  }
0x60: {  	_ =	shalt  }
0x61: {  	_ =	shalt  }
0x62: {  	_ =	shalt  }
0x63: {  	_ =	shalt  }
0x64: {  	_ =	shalt  }
0x65: {  	_ =	shalt  }
0x66: {  	_ =	shalt  }
0x67: {  	_ =	shalt  }
0x68: {  	_ =	shalt  }
0x69: {  	_ =	shalt  }
0x6a: {  	_ =	shalt  }
0x6b: {  	_ =	shalt  }
0x6c: {  	_ =	shalt  }
0x6d: {  	_ =	shalt  }
0x6e: {  	_ =	shalt  }
0x6f: {  	_ =	shalt  }
0x70: {  	_ =	shalt  }
0x71: {  	_ =	shalt  }
0x72: {  	_ =	shalt  }
0x73: {  	_ =	shalt  }
0x74: {  	_ =	shalt  }
0x75: {  	_ =	shalt  }
0x76: {  	_ =	shalt  }
0x77: {  	_ =	shalt  }
0x78: {  	_ =	shalt  }
0x79: {  	_ =	shalt  }
0x7a: {  	_ =	shalt  }
0x7b: {  	_ =	shalt  }
0x7c: {  	_ =	shalt  }
0x7d: {  	_ =	shalt  }
0x7e: {  	_ =	shalt  }
0x7f: {  	_ =	shalt  }
0x80: {  	_ =	shalt  }
0x81: {  	_ =	shalt  }
0x82: {  	_ =	shalt  }
0x83: {  	_ =	shalt  }
0x84: {  	_ =	shalt  }
0x85: {  	_ =	shalt  }
0x86: {  	_ =	shalt  }
0x87: {  	_ =	shalt  }
.Lfunc_end0:
.L_simem_size_0:
called_computation_lowered:
.L_overlay_start_0:
0x88: {  	s2 =	sld [smem:$0x3FD9]  }
0x89: {  	s3 =	sld [smem:$0x3FFE];
	_ =	sdelay $0x1  }
0x8a: {  	s1 =	srdreg.scid  }
0x8b: {  	s0 =	sand.u32 $0x1, s1  }
0x8c: {  	s18 =	sshll.u32 s0, $0xA;
	s2 =	sadd.s32 s3, s2  }
0x8d: {  	s2 =	sadd.s32 s2, s18  }
0x8e: {  	[smem:$0x3FA9] =	sst s2  }
0x8f: {  	_ = 	snop  }
0x90: {  	s2 =	sld [smem:$0x3FC9]  }
0x91: {  	s19 =	sld [smem:$0x3FC7]  }
0x92: {  	s4 =	sld [smem:$0x3FD0];
	(tm) =	ssettm $0x1  }
0x93: {  	s5 =	sld [smem:$0x3FFB];
	_ =	sdelay $0x3  }
0x94: {  	_ =	strace s5  }
0x95: {  	s5 =	sld [smem:$0x3FFC];
	_ =	sdelay $0x3  }
0x96: {  	_ =	strace s5  }
0x97: {  	s5 =	sld [smem:$0x3FFD];
	_ =	sdelay $0x3  }
0x98: {  	_ =	strace s5  }
0x99: {  	_ =	strace $0x8FFFFFFF  }
0x9a: {  	s20 =	sld [smem:$0x3FDB];
	_ =	sdelay $0x1  }
0x9b: {  	s6 =	simm.s32 $_scs_section_size  }
0x9c: {  	s7 =	simm.s32 $_size__tile_overlayer_lowered;
	s8 =	simm.s32 $_tile_overlayer_lowered  }
0x9d: {  	s23 =	simm.s32 $0x1BFF;
	s22 =	sshll.u32 s8, $0x1;
	s5 =	sadd.s32 s6, s20  }
0x9e: {  	s9 =	simm.s32 $0x0;
	s21 =	sshll.u32 s7, $0x1;
	s7 =	sadd.s32 s22, s5  }
0x9f: {  	[timem:s9], [sflag:s23] =	dma.local [hbm:s7], s21  }
0xa0: {  	_ =	swait.ge [sflag:s23], s21  }
0xa1: {  	s6 =	ssub.s32 $0x0, s21;
	[sflag:s23] =	ssyncset.done $0x0  }
0xa2: {  	[sflag:s23] =	ssyncadd.s32 s6;
	_ =	sdelay $0x1  }
0xa3: {  	s24 =	simm.s32 $0x1B8B  }
0xa4: {  	_ =	swait.ge [sflag:s24], $0x1  }
0xa5: {  	[sflag:s24] =	ssyncset.done $0x0  }
0xa6: {  	s25 =	simm.s32 $0x1B8E;
	[sflag:s24] =	ssyncadd.s32 $0xFFFFFFFF  }
0xa7: {  	s26 =	simm.s32 $execute0_lowered;
	[smem:$0x3FD2] =	sst s25  }
0xa8: {  	s6 =	sshll.u32 s26, $0x1;
	_ =	strace $0x80000046;
	[dreg:$0x1] =	wrdreg $0xFFFFFFFF  }
0xa9: {  	s28 =	simm.s32 $_size_execute0_lowered;
	s5 =	sadd.s32 s5, s6;
	[dreg:$0x0] =	wrdreg $0x0  }
0xaa: {  	s6 =	sshll.u32 s28, $0x1;
	[dreg:$0x2] =	wrdreg s5  }
0xab: {  	[dreg:$0x3] =	wrdreg s6  }
0xac: {  	[dreg:$0x4] =	wrdreg $0xC0  }
0xad: {  	_ =	task [dreg:s9], $0x5FFFF  }
0xae: {  	[dreg:$0x1] =	wrdreg $0xFFFFFFFF  }
0xaf: {  	[dreg:$0x0] =	wrdreg $0x60  }
0xb0: {  	[dreg:$0x2] =	wrdreg s19  }
0xb1: {  	[dreg:$0x3] =	wrdreg s2  }
0xb2: {  	[dreg:$0x4] =	wrdreg s4  }
0xb3: {  	[dreg:$0x5] =	wrdreg $0x9  }
0xb4: {  	_ =	task.clear_ibuf [dreg:s9], $0x6FFFF;
	_ =	strace $0x90000046  }
0xb5: {  	s29 =	simm.s32 $0x9;
	_ =	strace $0x80000048  }
0xb6: {  	_ =	swait.ge [sflag:s29], $0x1  }
0xb7: {  	[sflag:s29] =	ssyncadd.s32 $0xFFFFFFFF  }
0xb8: {  	_ =	strace $0x90000048  }
0xb9: {  	_ =	sfence  }
0xba: {  	s30 =	sld [smem:$0x0];
	_ =	sdelay $0x2  }
0xbb: {  	s31 =	sshll.u32 s1, $0xD;
	s1 =	sshrl.u32 s1, $0x2  }
0xbc: {  	s3 =	sand.u32 $0x4000, s31;
	s1 =	sadd.s32 s1, s30  }
0xbd: {  	s0 =	sor.u32 s3, s0;
	s1 =	sshll.u32 s1, $0x11  }
0xbe: {  	s0 =	sor.u32 s1, s0  }
0xbf: {  	s0 =	sadd.s32 $0x8F2B, s0  }
0xc0: {  	[sflag:s0] =	ssyncadd.remote.s32 $0x1  }
0xc1: {  	_ =	sfence.sel $0xFFFF  }
0xc2: {  	[dreg:$0x0] =	wrdreg $0xFFFFFFFF;
	(pc) =	sbr.abs _section_cstart, $3  }
0xc3: {  	[dreg:$0x1] =	wrdreg $0xFFFFFFFF  }
0xc4: {  	_ =	task.clear_ibuf [dreg:s9], $0x2FFFF;
	_ =	strace $0x9FFFFFFF  }
0xc5: {  	(tm) =	ssettm $0x7FFFFFFF  }
tec
execute0_lowered:
.L_overlay_start_1:
0x0: {  	(tag) =	ssettag $0x1  }
0x1: {  	s2 =	rddreg [dreg:$0x0]  }
0x2: {  	s0 =	rddreg [dreg:$0x1];
	s3 =	srdreg.scid  }
0x3: {  	s5 =	rddreg [dreg:$0x2];
	s1 =	stileid.u32  }
0x4: {  	s26 =	simm.s32 $0x880;
	s9 =	simm.s32 $0x1080;
	s10 =	simm.s32 $0x1880  }
0x5: {  	s11 =	simm.s32 $0x2080;
	s12 =	simm.s32 $0x2880;
	s13 =	simm.s32 $0x3080  }
0x6: {  	s14 =	simm.s32 $0x3880;
	s15 =	simm.s32 $0x4080;
	s16 =	simm.s32 $0x4880  }
0x7: {  	s17 =	simm.s32 $0x5080;
	s18 =	simm.s32 $0x5880;
	s19 =	simm.s32 $0x6080  }
0x8: {  	s20 =	simm.s32 $0x6880;
	s21 =	simm.s32 $0x7080;
	s22 =	simm.s32 $0x7880  }
0x9: {  	s23 =	simm.s32 $0x8080;
	s28 =	simm.s32 $0xA080;
	s29 =	simm.s32 $0xA880  }
0xa: {  	s30 =	simm.s32 $0xB080;
	s31 =	simm.s32 $0xB880;
	s4 =	sand.u32 $0x1, s3  }
0xb: {  	s6 =	sshll.u32 s1, $0x4;
	s3 =	simm.s32 $0x0;
	s7 =	sshll.u32 s4, $0x3  }
0xc: {  	s4 =	ssub.s32 $0x2, s4;
	[smem:$0x7FF] =	sst s3;
	s6 =	sor.u32 s7, s6  }
0xd: {  	s24 =	sshrl.u32 s4, $0x1;
	_ =	strace $0x80000047;
	[dreg:$0x6] =	wrdreg s26  }
0xe: {  	s26 =	simm.s32 $0x9880;
	s8 =	smul.u32 $0x300, s6;
	s7 =	ssub.s32 s4, s24  }
0xf: {  	s0 =	sadd.s32 s0, s6;
	s4 =	sadd.s32 $0x100, s2;
	s24 =	simm.s32 $0x8880  }
0x10: {  	v2 =	vlaneseq.u32;
	[dreg:$0x4] =	wrdreg s0;
	s6 =	smax.u32 s7, $0x1;
	s7 =	simm.s32 $0x2  }
0x11: {  	vm0 =	vmmov $0xffff;
	v1 =	vshrl.u32 v2, $0x3;
	s0 =	simm.s32 $0x1;
	s25 =	sadd.s32 s5, s8;
	s5 =	sadd.s32 $0x200, s2  }
0x12: {  	v0 =	vand.u32 $0x7, v2;
	v2 =	vor.u32 $0x8, v2;
	v1 =	vmul.u32 $0x8, v1;
	s8 =	simm.s32 $0x80;
	[dreg:$0x5] =	wrdreg s25;
	s25 =	simm.s32 $0x9080  }
.LBB2_1:
0x13: {  	s1 =	rddreg [dreg:$0x4]  }
0x14: {  	[tilespmem:s3], [sflag:$0x2] =	stream.linear.gather [hbm4b:s1+s3], $0x40, $0x38;
	[tilespmem:$0xC080] =	vst v63  }
0x15: {  	_ =	swait.ge [sflag:s7], $0x40  }
0x16: {  	[sflag:s7] =	ssyncset.done $0x0  }
0x17: {  	[sflag:s7] =	ssyncadd.s32 $0xFFFFFFC0  }
0x18: {  	v3 =	vld [tilespmem:$0x0];
	_ =	sdelay $0x4  }
0x19: {  	v4 =	vshrl.u32 v3, $0x3  }
0x1a: {  	v4 =	vmul.u32 $0x30, v4  }
0x1b: {  	v3 =	vand.u32 $0x7, v3  }
0x1c: {  	v3 =	vor.u32 v3, v4  }
0x1d: {  	v4 =	vperm.xlane v3, v0;
	_ =	sdelay $0x1  }
0x1e: {  	v4 =	vadd.s32 v1, v4;
	_ =	sdelay $0x3  }
0x1f: {  	v3 =	vperm.xlane v3, v2  }
0x20: {  	[tilespmem:s8], [sflag:$0x1] =	stream.indirect_vreg.gather [hbm4b:s2+s3], $0x80, v4, vm0, $0xb8;
	[tilespmem:$0xC080] =	vst v63  }
0x21: {  	s1 =	rddreg [dreg:$0x6];
	v3 =	vadd.s32 v1, v3  }
0x22: {  	[tilespmem:s1], [sflag:$0x1] =	stream.indirect_vreg.gather [hbm4b:s4+s3], $0x80, v4, vm0, $0xb8;
	[tilespmem:$0xC080] =	vst v63  }
0x23: {  	_ = 	snop  }
0x24: {  	[tilespmem:s9], [sflag:$0x1] =	stream.indirect_vreg.gather [hbm4b:s5+s3], $0x80, v4, vm0, $0xb8;
	[tilespmem:$0xC080] =	vst v63  }
0x25: {  	_ = 	snop  }
0x26: {  	[tilespmem:s10], [sflag:$0x1] =	stream.indirect_vreg.gather [hbm4b:s2+s3], $0x80, v3, vm0, $0xb8;
	[tilespmem:$0xC080] =	vst v63  }
0x27: {  	_ = 	snop  }
0x28: {  	[tilespmem:s11], [sflag:$0x1] =	stream.indirect_vreg.gather [hbm4b:s4+s3], $0x80, v3, vm0, $0xb8;
	[tilespmem:$0xC080] =	vst v63  }
0x29: {  	_ = 	snop  }
0x2a: {  	[tilespmem:s12], [sflag:$0x1] =	stream.indirect_vreg.gather [hbm4b:s5+s3], $0x80, v3, vm0, $0xb8;
	[tilespmem:$0xC080] =	vst v63  }
0x2b: {  	v3 =	vld [tilespmem:$0x10];
	_ =	sdelay $0x4  }
0x2c: {  	v61 =	vshrl.u32 v3, $0x3  }
0x2d: {  	v4 =	vmul.u32 $0x30, v61  }
0x2e: {  	v3 =	vand.u32 $0x7, v3  }
0x2f: {  	v3 =	vor.u32 v3, v4  }
0x30: {  	v4 =	vperm.xlane v3, v0;
	_ =	sdelay $0x1  }
0x31: {  	v4 =	vadd.s32 v1, v4;
	_ =	sdelay $0x3  }
0x32: {  	v3 =	vperm.xlane v3, v2  }
0x33: {  	[tilespmem:s13], [sflag:$0x1] =	stream.indirect_vreg.gather [hbm4b:s2+s3], $0x80, v4, vm0, $0xb8;
	[tilespmem:$0xC080] =	vst v63  }
0x34: {  	v3 =	vadd.s32 v1, v3  }
0x35: {  	[tilespmem:s14], [sflag:$0x1] =	stream.indirect_vreg.gather [hbm4b:s4+s3], $0x80, v4, vm0, $0xb8;
	[tilespmem:$0xC080] =	vst v63  }
0x36: {  	_ = 	snop  }
0x37: {  	[tilespmem:s15], [sflag:$0x1] =	stream.indirect_vreg.gather [hbm4b:s5+s3], $0x80, v4, vm0, $0xb8;
	[tilespmem:$0xC080] =	vst v63  }
0x38: {  	_ = 	snop  }
0x39: {  	[tilespmem:s16], [sflag:$0x1] =	stream.indirect_vreg.gather [hbm4b:s2+s3], $0x80, v3, vm0, $0xb8;
	[tilespmem:$0xC080] =	vst v63  }
0x3a: {  	_ = 	snop  }
0x3b: {  	[tilespmem:s17], [sflag:$0x1] =	stream.indirect_vreg.gather [hbm4b:s4+s3], $0x80, v3, vm0, $0xb8;
	[tilespmem:$0xC080] =	vst v63  }
0x3c: {  	_ = 	snop  }
0x3d: {  	[tilespmem:s18], [sflag:$0x1] =	stream.indirect_vreg.gather [hbm4b:s5+s3], $0x80, v3, vm0, $0xb8;
	[tilespmem:$0xC080] =	vst v63  }
0x3e: {  	v3 =	vld [tilespmem:$0x20];
	_ =	sdelay $0x4  }
0x3f: {  	v62 =	vshrl.u32 v3, $0x3  }
0x40: {  	v4 =	vmul.u32 $0x30, v62  }
0x41: {  	v3 =	vand.u32 $0x7, v3  }
0x42: {  	v3 =	vor.u32 v3, v4  }
0x43: {  	v4 =	vperm.xlane v3, v0;
	_ =	sdelay $0x1  }
0x44: {  	v4 =	vadd.s32 v1, v4;
	_ =	sdelay $0x3  }
0x45: {  	v3 =	vperm.xlane v3, v2  }
0x46: {  	[tilespmem:s19], [sflag:$0x1] =	stream.indirect_vreg.gather [hbm4b:s2+s3], $0x80, v4, vm0, $0xb8;
	[tilespmem:$0xC080] =	vst v63  }
0x47: {  	v3 =	vadd.s32 v1, v3  }
0x48: {  	[tilespmem:s20], [sflag:$0x1] =	stream.indirect_vreg.gather [hbm4b:s4+s3], $0x80, v4, vm0, $0xb8;
	[tilespmem:$0xC080] =	vst v63  }
0x49: {  	_ = 	snop  }
0x4a: {  	[tilespmem:s21], [sflag:$0x1] =	stream.indirect_vreg.gather [hbm4b:s5+s3], $0x80, v4, vm0, $0xb8;
	[tilespmem:$0xC080] =	vst v63  }
0x4b: {  	_ = 	snop  }
0x4c: {  	[tilespmem:s22], [sflag:$0x1] =	stream.indirect_vreg.gather [hbm4b:s2+s3], $0x80, v3, vm0, $0xb8;
	[tilespmem:$0xC080] =	vst v63  }
0x4d: {  	_ = 	snop  }
0x4e: {  	[tilespmem:s23], [sflag:$0x1] =	stream.indirect_vreg.gather [hbm4b:s4+s3], $0x80, v3, vm0, $0xb8;
	[tilespmem:$0xC080] =	vst v63  }
0x4f: {  	_ = 	snop  }
0x50: {  	[tilespmem:s24], [sflag:$0x1] =	stream.indirect_vreg.gather [hbm4b:s5+s3], $0x80, v3, vm0, $0xb8;
	[tilespmem:$0xC080] =	vst v63  }
0x51: {  	v3 =	vld [tilespmem:$0x30];
	_ =	sdelay $0x4  }
0x52: {  	v63 =	vshrl.u32 v3, $0x3  }
0x53: {  	v4 =	vmul.u32 $0x30, v63  }
0x54: {  	v3 =	vand.u32 $0x7, v3  }
0x55: {  	v3 =	vor.u32 v3, v4  }
0x56: {  	v4 =	vperm.xlane v3, v0;
	_ =	sdelay $0x1  }
0x57: {  	v4 =	vadd.s32 v1, v4;
	_ =	sdelay $0x3  }
0x58: {  	v3 =	vperm.xlane v3, v2  }
0x59: {  	[tilespmem:s25], [sflag:$0x1] =	stream.indirect_vreg.gather [hbm4b:s2+s3], $0x80, v4, vm0, $0xb8;
	[tilespmem:$0xC080] =	vst v63  }
0x5a: {  	v3 =	vadd.s32 v1, v3  }
0x5b: {  	[tilespmem:s26], [sflag:$0x1] =	stream.indirect_vreg.gather [hbm4b:s4+s3], $0x80, v4, vm0, $0xb8;
	[tilespmem:$0xC080] =	vst v63  }
0x5c: {  	_ = 	snop  }
0x5d: {  	[tilespmem:s28], [sflag:$0x1] =	stream.indirect_vreg.gather [hbm4b:s5+s3], $0x80, v4, vm0, $0xb8;
	[tilespmem:$0xC080] =	vst v63  }
0x5e: {  	_ = 	snop  }
0x5f: {  	[tilespmem:s29], [sflag:$0x1] =	stream.indirect_vreg.gather [hbm4b:s2+s3], $0x80, v3, vm0, $0xb8;
	[tilespmem:$0xC080] =	vst v63  }
0x60: {  	_ = 	snop  }
0x61: {  	[tilespmem:s30], [sflag:$0x1] =	stream.indirect_vreg.gather [hbm4b:s4+s3], $0x80, v3, vm0, $0xb8;
	[tilespmem:$0xC080] =	vst v63  }
0x62: {  	_ = 	snop  }
0x63: {  	[tilespmem:s31], [sflag:$0x1] =	stream.indirect_vreg.gather [hbm4b:s5+s3], $0x80, v3, vm0, $0xb8;
	[tilespmem:$0xC080] =	vst v63  }
0x64: {  	_ =	swait.ge [sflag:s0], $0xC000  }
0x65: {  	p0 =	sne.s32 s6, $0x1;
	[sflag:s0] =	ssyncset.done $0x0  }
.Ltmp0:
0x66: {  	s1 =	rddreg [dreg:$0x5];
	[sflag:s0] =	ssyncadd.s32 $0xFFFF4000;
	(pc) =	sbr.rel @p0 .LBB2_1-.Ltmp0, $4  }
0x67: {  	[hbm4b:s1+s3] =	stream.linear.scatter [tilespmem:s8], [sflag:$0x2], $0xC000, $0x38;
	[tilespmem:$0xC080] =	vst v63  }
0x68: {  	_ =	swait.ge [sflag:s7], $0xC000  }
0x69: {  	[sflag:s7] =	ssyncset.done $0x0  }
0x6a: {  	s6 =	sadd.s32 $0xFFFFFFFF, s6;
	[sflag:s7] =	ssyncadd.s32 $0xFFFF4000  }
0x6b: {  	_ =	sfence.sel $0x180000  }
0x6c: {  	[bflag:$0x0] =	sbarrier.arrive $0xFFFF  }
0x6d: {  	_ =	strace $0x90000047  }
0x6e: {  	s0 =	stileid.u32;
	[bflag:$0x2] =	sbarrier.arrive $0xFFFF  }
0x6f: {  	p0 =	sne.s32 s0, $0x0;
	s0 =	rddreg [dreg:$0x3]  }
0x70: {  	s0 =	sadd.s32 @!p0 $0x100000, s0  }
0x71: {  	[sflag:s0] =	ssyncadd.tile.s32 @!p0 $0x1;
	_ =	shalt  }
.Lfunc_end2:
_tile_overlayer_lowered:
.L_overlay_start_2:
0x72: {  	(tag) =	ssettag $0x2  }
0x73: {  	s0 =	rddreg [dreg:$0x0];
	s2 =	stileid.u32  }
0x74: {  	s1 =	rddreg [dreg:$0x1];
	p0 =	sne.s32 s2, $0x0  }
0x75: {  	s3 =	rddreg [dreg:$0x2];
	[bflag:$0x3] =	sbarrier.arrive $0xFFFF;
	s2 =	simm.s32 @!p0 $0x1C02  }
0x76: {  	[timem:s3], [sflag:s2] =	dma.local @!p0 [hbm:s0], s1  }
0x77: {  	s0 =	simm.s32 @!p0 $0x2  }
0x78: {  	_ =	swait.ge @!p0 [sflag:s0], s1  }
0x79: {  	s1 =	ssub.s32 @!p0 $0x0, s1;
	[sflag:s0] =	ssyncset.done @!p0 $0x0  }
0x7a: {  	[sflag:s0] =	ssyncadd.s32 @!p0 s1  }
0x7b: {  	[bflag:$0x3] =	sbarrier.arrive $0xFFFF  }
0x7c: {  	_ =	shalt  }

</sc_bundles>
